<compile_context>
chip_gen: v7x
topology: tpu7x:2x2x1
jax: 0.10.2.dev20260603
libtpu: 0.0.44.dev20260713+nightly
codegen_flags: <defaults>
</compile_context>

<pallas_src>
import functools

import jax
import jax.numpy as jnp
from jax import lax
from jax.experimental import pallas as pl
from jax.experimental.pallas import tpu as pltpu
from jax.experimental.pallas import tpu_sc as plsc

_CHUNK = 128
_NBUF = 8


@functools.lru_cache(maxsize=None)
def _make_gather(V, D, N):
    info = plsc.get_sparse_core_info()
    NC, NS = info.num_cores, info.num_subcores
    NW = NC * NS
    assert N % (NW * _CHUNK) == 0
    per_w = N // NW
    nchunks = per_w // _CHUNK

    mesh = plsc.VectorSubcoreMesh(core_axis_name="c", subcore_axis_name="s")

    @functools.partial(
        pl.kernel,
        mesh=mesh,
        compiler_params=pltpu.CompilerParams(use_tc_tiling_on_sc=False),
        out_type=jax.ShapeDtypeStruct((N, D), jnp.float32),
        scratch_types=[
            pltpu.VMEM((nchunks, _CHUNK), jnp.int32),
            [pltpu.VMEM((_CHUNK, D), jnp.float32) for _ in range(_NBUF)],
            [pltpu.SemaphoreType.DMA for _ in range(_NBUF)],
            [pltpu.SemaphoreType.DMA for _ in range(_NBUF)],
        ],
    )
    def k(xv_hbm, table_hbm, out_hbm, idx_v, rows, gsem, osem):
        wid = lax.axis_index("s") * NC + lax.axis_index("c")
        base = wid * per_w

        pltpu.sync_copy(xv_hbm.at[wid], idx_v)

        def gather(c, slot):
            pltpu.async_copy(
                table_hbm.at[idx_v.at[c]], rows[slot], gsem[slot])

        def wait_gather(slot):
            pltpu.make_async_copy(
                table_hbm.at[idx_v.at[0]], rows[slot], gsem[slot]).wait()

        def writeout(c, slot):
            pltpu.async_copy(
                rows[slot], out_hbm.at[pl.ds(base + c * _CHUNK, _CHUNK)],
                osem[slot])

        def wait_writeout(slot):
            pltpu.make_async_copy(
                rows[slot], out_hbm.at[pl.ds(0, _CHUNK)], osem[slot]).wait()

        for i in range(_NBUF):
            gather(i, i)

        def group(grp, carry):
            for par in range(_NBUF):
                g = grp * _NBUF + par
                wait_gather(par)
                writeout(g, par)

                @pl.when(g + _NBUF < nchunks)
                def _():
                    wait_writeout(par)
                    gather(g + _NBUF, par)

            return carry

        assert nchunks % _NBUF == 0
        lax.fori_loop(0, nchunks // _NBUF, group, 0)

        for slot in range(_NBUF):
            wait_writeout(slot)

    return k


def kernel(x, table):
    BATCH, HIST = x.shape
    V, D = table.shape
    N = BATCH * HIST
    info = plsc.get_sparse_core_info()
    NW = info.num_cores * info.num_subcores
    xv = x.reshape(NW, N // (NW * _CHUNK), _CHUNK)
    out = _make_gather(V, D, N)(xv, table)
    return out.reshape(BATCH, HIST, D)

# --- scband reference (transcript-rebuilt; emitter-appended) ---
"""Pipeline reference for scband-sentence-embedding-14121852469283 (READ-ONLY COPY).

The authoritative reference and input builder live on the scoring server;
editing this copy changes nothing except your own understanding.
"""

import jax, jax.numpy as jnp
import numpy as np

VOCAB = 1000000
EMBED_DIM = 64
BATCH = 4096
HIST = 200

def setup_inputs(seed: int = 0) -> dict:
    key = jax.random.key(seed)
    k1, k2 = jax.random.split(key)
    x = jax.random.randint(k1, (BATCH, HIST), 0, VOCAB, dtype=jnp.int64 if jax.config.jax_enable_x64 else jnp.int32)
    table = jax.random.normal(k2, (VOCAB, EMBED_DIM), dtype=jnp.float32) * 0.05
    return {"x": x, "table": table}

def reference(x, table):
    # Faithful translation of layers.Embedding: row gather from the embedding table.
    sentence = jnp.take(table, x, axis=0)
    return sentence

if __name__ == "__main__":
    import jax
    _d = setup_inputs()
    print(jax.jit(kernel)(*tuple(_d.values())))

</pallas_src>

<mosaic_0001>
#map = affine_map<(d0, d1) -> (0, 0, 0)>
#map1 = affine_map<(d0, d1) -> (0, 0)>
module attributes {stable_mosaic.version = 14 : i64} {
  func.func @k(%arg0: i32, %arg1: i32, %arg2: memref<32x200x128xi32, #tpu.memory_space<hbm>>, %arg3: memref<1000000x64xf32, #tpu.memory_space<hbm>>, %arg4: memref<819200x64xf32, #tpu.memory_space<hbm>>, %arg5: memref<200x128xi32, #tpu.memory_space<vmem>>, %arg6: memref<128x64xf32, #tpu.memory_space<vmem>>, %arg7: memref<128x64xf32, #tpu.memory_space<vmem>>, %arg8: memref<128x64xf32, #tpu.memory_space<vmem>>, %arg9: memref<128x64xf32, #tpu.memory_space<vmem>>, %arg10: memref<128x64xf32, #tpu.memory_space<vmem>>, %arg11: memref<128x64xf32, #tpu.memory_space<vmem>>, %arg12: memref<128x64xf32, #tpu.memory_space<vmem>>, %arg13: memref<128x64xf32, #tpu.memory_space<vmem>>, %arg14: memref<!tpu.dma_semaphore, #tpu.memory_space<semaphore_mem>>, %arg15: memref<!tpu.dma_semaphore, #tpu.memory_space<semaphore_mem>>, %arg16: memref<!tpu.dma_semaphore, #tpu.memory_space<semaphore_mem>>, %arg17: memref<!tpu.dma_semaphore, #tpu.memory_space<semaphore_mem>>, %arg18: memref<!tpu.dma_semaphore, #tpu.memory_space<semaphore_mem>>, %arg19: memref<!tpu.dma_semaphore, #tpu.memory_space<semaphore_mem>>, %arg20: memref<!tpu.dma_semaphore, #tpu.memory_space<semaphore_mem>>, %arg21: memref<!tpu.dma_semaphore, #tpu.memory_space<semaphore_mem>>, %arg22: memref<!tpu.dma_semaphore, #tpu.memory_space<semaphore_mem>>, %arg23: memref<!tpu.dma_semaphore, #tpu.memory_space<semaphore_mem>>, %arg24: memref<!tpu.dma_semaphore, #tpu.memory_space<semaphore_mem>>, %arg25: memref<!tpu.dma_semaphore, #tpu.memory_space<semaphore_mem>>, %arg26: memref<!tpu.dma_semaphore, #tpu.memory_space<semaphore_mem>>, %arg27: memref<!tpu.dma_semaphore, #tpu.memory_space<semaphore_mem>>, %arg28: memref<!tpu.dma_semaphore, #tpu.memory_space<semaphore_mem>>, %arg29: memref<!tpu.dma_semaphore, #tpu.memory_space<semaphore_mem>>) attributes {dimension_semantics = [#tpu.dimension_semantics<core_parallel>, #tpu.dimension_semantics<subcore_parallel>], iteration_bounds = array<i64: 2, 16>, scalar_prefetch = 0 : i64, scratch_operands = 25 : i64, tpu.core_type = #tpu.core_type<sc_vector_subcore>, window_params = [{transform_indices = #map}, {transform_indices = #map1}, {transform_indices = #map1}]} {
    %mul3A = arith.constant 2 : i32
    %mul3A_0 = arith.muli %arg1, %mul3A : i32
    %add3A = arith.addi %mul3A_0, %arg0 : i32
    %mul3A_1 = arith.constant 25600 : i32
    %mul3A_2 = arith.muli %add3A, %mul3A_1 : i32
    "tpu.region"() ({
      %run_scoped3A = tpu.sem_alloc : memref<!tpu.dma_semaphore, #tpu.memory_space<semaphore_mem>>
      %dma_start3A_110 = arith.constant 0 : i32
      %dma_start3A_111 = arith.constant 0 : i32
      %dma_start3A_112 = tpu.memref_slice %arg2[%add3A, %dma_start3A_110, %dma_start3A_111] : memref<32x200x128xi32, #tpu.memory_space<hbm>> -> memref<1x200x128xi32, #tpu.memory_space<hbm>>
      %dma_start3A_113 = tpu.memref_squeeze %dma_start3A_112 : memref<1x200x128xi32, #tpu.memory_space<hbm>> -> memref<200x128xi32, #tpu.memory_space<hbm>>
      %dma_start3A_114 = arith.constant 0 : i32
      %dma_start3A_115 = arith.constant 0 : i32
      %dma_start3A_116 = tpu.memref_slice %arg2[%add3A, %dma_start3A_114, %dma_start3A_115] : memref<32x200x128xi32, #tpu.memory_space<hbm>> -> memref<1x200x128xi32, #tpu.memory_space<hbm>>
      %dma_start3A_117 = tpu.memref_squeeze %dma_start3A_116 : memref<1x200x128xi32, #tpu.memory_space<hbm>> -> memref<200x128xi32, #tpu.memory_space<hbm>>
      tpu.enqueue_dma source(%dma_start3A_117 : memref<200x128xi32, #tpu.memory_space<hbm>>) target(%arg5 : memref<200x128xi32, #tpu.memory_space<vmem>>) target_semaphore(%run_scoped3A : memref<!tpu.dma_semaphore, #tpu.memory_space<semaphore_mem>>)
      %dma_wait3A_118 = arith.constant 0 : i32
      %dma_wait3A_119 = arith.constant 0 : i32
      %dma_wait3A_120 = tpu.memref_slice %arg2[%add3A, %dma_wait3A_118, %dma_wait3A_119] : memref<32x200x128xi32, #tpu.memory_space<hbm>> -> memref<1x200x128xi32, #tpu.memory_space<hbm>>
      %dma_wait3A_121 = tpu.memref_squeeze %dma_wait3A_120 : memref<1x200x128xi32, #tpu.memory_space<hbm>> -> memref<200x128xi32, #tpu.memory_space<hbm>>
      %dma_wait3A_122 = arith.constant 0 : i32
      %dma_wait3A_123 = arith.constant 0 : i32
      %dma_wait3A_124 = tpu.memref_slice %arg2[%add3A, %dma_wait3A_122, %dma_wait3A_123] : memref<32x200x128xi32, #tpu.memory_space<hbm>> -> memref<1x200x128xi32, #tpu.memory_space<hbm>>
      %dma_wait3A_125 = tpu.memref_squeeze %dma_wait3A_124 : memref<1x200x128xi32, #tpu.memory_space<hbm>> -> memref<200x128xi32, #tpu.memory_space<hbm>>
      tpu.wait_dma2 semaphore(%run_scoped3A : memref<!tpu.dma_semaphore, #tpu.memory_space<semaphore_mem>>) src(%dma_wait3A_125 : memref<200x128xi32, #tpu.memory_space<hbm>>) dst(%arg5 : memref<200x128xi32, #tpu.memory_space<vmem>>)
      tpu.yield
    }) : () -> ()
    %dma_start3A = arith.constant 0 : i32
    %dma_start3A_3 = arith.constant 0 : i32
    %dma_start3A_4 = tpu.memref_slice %arg5[%dma_start3A, %dma_start3A_3] : memref<200x128xi32, #tpu.memory_space<vmem>> -> memref<1x128xi32, #tpu.memory_space<vmem>>
    %dma_start3A_5 = tpu.memref_squeeze %dma_start3A_4 : memref<1x128xi32, #tpu.memory_space<vmem>> -> memref<128xi32, #tpu.memory_space<vmem>>
    %dma_start3A_6 = arith.constant 0 : i32
    %dma_start3A_7 = arith.constant 0 : i32
    %dma_start3A_8 = tpu.memref_slice %arg3[%dma_start3A_6, %dma_start3A_7] : memref<1000000x64xf32, #tpu.memory_space<hbm>> -> memref<1000000x64xf32, #tpu.memory_space<hbm>>
    tpu.enqueue_indirect_dma source(%dma_start3A_8 : memref<1000000x64xf32, #tpu.memory_space<hbm>>) target(%arg6 : memref<128x64xf32, #tpu.memory_space<vmem>>) offsets(%dma_start3A_5 : memref<128xi32, #tpu.memory_space<vmem>>) semaphore(%arg14 : memref<!tpu.dma_semaphore, #tpu.memory_space<semaphore_mem>>)
    %dma_start3A_9 = arith.constant 1 : i32
    %dma_start3A_10 = arith.constant 0 : i32
    %dma_start3A_11 = tpu.memref_slice %arg5[%dma_start3A_9, %dma_start3A_10] : memref<200x128xi32, #tpu.memory_space<vmem>> -> memref<1x128xi32, #tpu.memory_space<vmem>>
    %dma_start3A_12 = tpu.memref_squeeze %dma_start3A_11 : memref<1x128xi32, #tpu.memory_space<vmem>> -> memref<128xi32, #tpu.memory_space<vmem>>
    %dma_start3A_13 = arith.constant 0 : i32
    %dma_start3A_14 = arith.constant 0 : i32
    %dma_start3A_15 = tpu.memref_slice %arg3[%dma_start3A_13, %dma_start3A_14] : memref<1000000x64xf32, #tpu.memory_space<hbm>> -> memref<1000000x64xf32, #tpu.memory_space<hbm>>
    tpu.enqueue_indirect_dma source(%dma_start3A_15 : memref<1000000x64xf32, #tpu.memory_space<hbm>>) target(%arg7 : memref<128x64xf32, #tpu.memory_space<vmem>>) offsets(%dma_start3A_12 : memref<128xi32, #tpu.memory_space<vmem>>) semaphore(%arg15 : memref<!tpu.dma_semaphore, #tpu.memory_space<semaphore_mem>>)
    %dma_start3A_16 = arith.constant 2 : i32
    %dma_start3A_17 = arith.constant 0 : i32
    %dma_start3A_18 = tpu.memref_slice %arg5[%dma_start3A_16, %dma_start3A_17] : memref<200x128xi32, #tpu.memory_space<vmem>> -> memref<1x128xi32, #tpu.memory_space<vmem>>
    %dma_start3A_19 = tpu.memref_squeeze %dma_start3A_18 : memref<1x128xi32, #tpu.memory_space<vmem>> -> memref<128xi32, #tpu.memory_space<vmem>>
    %dma_start3A_20 = arith.constant 0 : i32
    %dma_start3A_21 = arith.constant 0 : i32
    %dma_start3A_22 = tpu.memref_slice %arg3[%dma_start3A_20, %dma_start3A_21] : memref<1000000x64xf32, #tpu.memory_space<hbm>> -> memref<1000000x64xf32, #tpu.memory_space<hbm>>
    tpu.enqueue_indirect_dma source(%dma_start3A_22 : memref<1000000x64xf32, #tpu.memory_space<hbm>>) target(%arg8 : memref<128x64xf32, #tpu.memory_space<vmem>>) offsets(%dma_start3A_19 : memref<128xi32, #tpu.memory_space<vmem>>) semaphore(%arg16 : memref<!tpu.dma_semaphore, #tpu.memory_space<semaphore_mem>>)
    %dma_start3A_23 = arith.constant 3 : i32
    %dma_start3A_24 = arith.constant 0 : i32
    %dma_start3A_25 = tpu.memref_slice %arg5[%dma_start3A_23, %dma_start3A_24] : memref<200x128xi32, #tpu.memory_space<vmem>> -> memref<1x128xi32, #tpu.memory_space<vmem>>
    %dma_start3A_26 = tpu.memref_squeeze %dma_start3A_25 : memref<1x128xi32, #tpu.memory_space<vmem>> -> memref<128xi32, #tpu.memory_space<vmem>>
    %dma_start3A_27 = arith.constant 0 : i32
    %dma_start3A_28 = arith.constant 0 : i32
    %dma_start3A_29 = tpu.memref_slice %arg3[%dma_start3A_27, %dma_start3A_28] : memref<1000000x64xf32, #tpu.memory_space<hbm>> -> memref<1000000x64xf32, #tpu.memory_space<hbm>>
    tpu.enqueue_indirect_dma source(%dma_start3A_29 : memref<1000000x64xf32, #tpu.memory_space<hbm>>) target(%arg9 : memref<128x64xf32, #tpu.memory_space<vmem>>) offsets(%dma_start3A_26 : memref<128xi32, #tpu.memory_space<vmem>>) semaphore(%arg17 : memref<!tpu.dma_semaphore, #tpu.memory_space<semaphore_mem>>)
    %dma_start3A_30 = arith.constant 4 : i32
    %dma_start3A_31 = arith.constant 0 : i32
    %dma_start3A_32 = tpu.memref_slice %arg5[%dma_start3A_30, %dma_start3A_31] : memref<200x128xi32, #tpu.memory_space<vmem>> -> memref<1x128xi32, #tpu.memory_space<vmem>>
    %dma_start3A_33 = tpu.memref_squeeze %dma_start3A_32 : memref<1x128xi32, #tpu.memory_space<vmem>> -> memref<128xi32, #tpu.memory_space<vmem>>
    %dma_start3A_34 = arith.constant 0 : i32
    %dma_start3A_35 = arith.constant 0 : i32
    %dma_start3A_36 = tpu.memref_slice %arg3[%dma_start3A_34, %dma_start3A_35] : memref<1000000x64xf32, #tpu.memory_space<hbm>> -> memref<1000000x64xf32, #tpu.memory_space<hbm>>
    tpu.enqueue_indirect_dma source(%dma_start3A_36 : memref<1000000x64xf32, #tpu.memory_space<hbm>>) target(%arg10 : memref<128x64xf32, #tpu.memory_space<vmem>>) offsets(%dma_start3A_33 : memref<128xi32, #tpu.memory_space<vmem>>) semaphore(%arg18 : memref<!tpu.dma_semaphore, #tpu.memory_space<semaphore_mem>>)
    %dma_start3A_37 = arith.constant 5 : i32
    %dma_start3A_38 = arith.constant 0 : i32
    %dma_start3A_39 = tpu.memref_slice %arg5[%dma_start3A_37, %dma_start3A_38] : memref<200x128xi32, #tpu.memory_space<vmem>> -> memref<1x128xi32, #tpu.memory_space<vmem>>
    %dma_start3A_40 = tpu.memref_squeeze %dma_start3A_39 : memref<1x128xi32, #tpu.memory_space<vmem>> -> memref<128xi32, #tpu.memory_space<vmem>>
    %dma_start3A_41 = arith.constant 0 : i32
    %dma_start3A_42 = arith.constant 0 : i32
    %dma_start3A_43 = tpu.memref_slice %arg3[%dma_start3A_41, %dma_start3A_42] : memref<1000000x64xf32, #tpu.memory_space<hbm>> -> memref<1000000x64xf32, #tpu.memory_space<hbm>>
    tpu.enqueue_indirect_dma source(%dma_start3A_43 : memref<1000000x64xf32, #tpu.memory_space<hbm>>) target(%arg11 : memref<128x64xf32, #tpu.memory_space<vmem>>) offsets(%dma_start3A_40 : memref<128xi32, #tpu.memory_space<vmem>>) semaphore(%arg19 : memref<!tpu.dma_semaphore, #tpu.memory_space<semaphore_mem>>)
    %dma_start3A_44 = arith.constant 6 : i32
    %dma_start3A_45 = arith.constant 0 : i32
    %dma_start3A_46 = tpu.memref_slice %arg5[%dma_start3A_44, %dma_start3A_45] : memref<200x128xi32, #tpu.memory_space<vmem>> -> memref<1x128xi32, #tpu.memory_space<vmem>>
    %dma_start3A_47 = tpu.memref_squeeze %dma_start3A_46 : memref<1x128xi32, #tpu.memory_space<vmem>> -> memref<128xi32, #tpu.memory_space<vmem>>
    %dma_start3A_48 = arith.constant 0 : i32
    %dma_start3A_49 = arith.constant 0 : i32
    %dma_start3A_50 = tpu.memref_slice %arg3[%dma_start3A_48, %dma_start3A_49] : memref<1000000x64xf32, #tpu.memory_space<hbm>> -> memref<1000000x64xf32, #tpu.memory_space<hbm>>
    tpu.enqueue_indirect_dma source(%dma_start3A_50 : memref<1000000x64xf32, #tpu.memory_space<hbm>>) target(%arg12 : memref<128x64xf32, #tpu.memory_space<vmem>>) offsets(%dma_start3A_47 : memref<128xi32, #tpu.memory_space<vmem>>) semaphore(%arg20 : memref<!tpu.dma_semaphore, #tpu.memory_space<semaphore_mem>>)
    %dma_start3A_51 = arith.constant 7 : i32
    %dma_start3A_52 = arith.constant 0 : i32
    %dma_start3A_53 = tpu.memref_slice %arg5[%dma_start3A_51, %dma_start3A_52] : memref<200x128xi32, #tpu.memory_space<vmem>> -> memref<1x128xi32, #tpu.memory_space<vmem>>
    %dma_start3A_54 = tpu.memref_squeeze %dma_start3A_53 : memref<1x128xi32, #tpu.memory_space<vmem>> -> memref<128xi32, #tpu.memory_space<vmem>>
    %dma_start3A_55 = arith.constant 0 : i32
    %dma_start3A_56 = arith.constant 0 : i32
    %dma_start3A_57 = tpu.memref_slice %arg3[%dma_start3A_55, %dma_start3A_56] : memref<1000000x64xf32, #tpu.memory_space<hbm>> -> memref<1000000x64xf32, #tpu.memory_space<hbm>>
    tpu.enqueue_indirect_dma source(%dma_start3A_57 : memref<1000000x64xf32, #tpu.memory_space<hbm>>) target(%arg13 : memref<128x64xf32, #tpu.memory_space<vmem>>) offsets(%dma_start3A_54 : memref<128xi32, #tpu.memory_space<vmem>>) semaphore(%arg21 : memref<!tpu.dma_semaphore, #tpu.memory_space<semaphore_mem>>)
    %scan3A = arith.constant 0 : i32
    %scan3A_58 = arith.constant 0 : i32
    %scan3A_59 = arith.constant 25 : i32
    %scan3A_60 = arith.addi %scan3A_58, %scan3A_59 : i32
    %scan3A_61 = arith.constant 1 : i32
    scf.for %scan3A_110 = %scan3A_58 to %scan3A_60 step %scan3A_61  : i32 {
      %mul3A_111 = arith.constant 8 : i32
      %mul3A_112 = arith.muli %scan3A_110, %mul3A_111 : i32
      %add3A_113 = arith.constant 0 : i32
      %add3A_114 = arith.addi %mul3A_112, %add3A_113 : i32
      %dma_wait3A_115 = arith.constant 0 : i32
      %dma_wait3A_116 = arith.constant 0 : i32
      %dma_wait3A_117 = tpu.memref_slice %arg5[%dma_wait3A_115, %dma_wait3A_116] : memref<200x128xi32, #tpu.memory_space<vmem>> -> memref<1x128xi32, #tpu.memory_space<vmem>>
      %dma_wait3A_118 = tpu.memref_squeeze %dma_wait3A_117 : memref<1x128xi32, #tpu.memory_space<vmem>> -> memref<128xi32, #tpu.memory_space<vmem>>
      %dma_wait3A_119 = arith.constant 0 : i32
      %dma_wait3A_120 = arith.constant 0 : i32
      %dma_wait3A_121 = tpu.memref_slice %arg3[%dma_wait3A_119, %dma_wait3A_120] : memref<1000000x64xf32, #tpu.memory_space<hbm>> -> memref<1000000x64xf32, #tpu.memory_space<hbm>>
      tpu.wait_indirect_dma semaphore(%arg14 : memref<!tpu.dma_semaphore, #tpu.memory_space<semaphore_mem>>) src(%dma_wait3A_121 : memref<1000000x64xf32, #tpu.memory_space<hbm>>) dst(%arg6 : memref<128x64xf32, #tpu.memory_space<vmem>>)
      %mul3A_122 = arith.constant 128 : i32
      %mul3A_123 = arith.muli %add3A_114, %mul3A_122 : i32
      %add3A_124 = arith.addi %mul3A_2, %mul3A_123 : i32
      %dma_start3A_125 = arith.constant 0 : i32
      %dma_start3A_126 = tpu.memref_slice %arg4[%add3A_124, %dma_start3A_125] : memref<819200x64xf32, #tpu.memory_space<hbm>> -> memref<128x64xf32, #tpu.memory_space<hbm>>
      %dma_start3A_127 = arith.constant 0 : i32
      %dma_start3A_128 = tpu.memref_slice %arg4[%add3A_124, %dma_start3A_127] : memref<819200x64xf32, #tpu.memory_space<hbm>> -> memref<128x64xf32, #tpu.memory_space<hbm>>
      tpu.enqueue_dma source(%arg6 : memref<128x64xf32, #tpu.memory_space<vmem>>) target(%dma_start3A_128 : memref<128x64xf32, #tpu.memory_space<hbm>>) target_semaphore(%arg22 : memref<!tpu.dma_semaphore, #tpu.memory_space<semaphore_mem>>)
      %add3A_129 = arith.constant 8 : i32
      %add3A_130 = arith.addi %add3A_114, %add3A_129 : i32
      %lt3A = arith.constant 200 : i32
      %lt3A_131 = arith.cmpi slt, %add3A_130, %lt3A : i32
      %convert_element_type3A = arith.extui %lt3A_131 : i1 to i32
      %cond3A = arith.constant 0 : i32
      %cond3A_132 = arith.cmpi ne, %convert_element_type3A, %cond3A : i32
      scf.if %cond3A_132 {
        %dma_wait3A_308 = arith.constant 0 : i32
        %dma_wait3A_309 = arith.constant 0 : i32
        %dma_wait3A_310 = tpu.memref_slice %arg4[%dma_wait3A_308, %dma_wait3A_309] : memref<819200x64xf32, #tpu.memory_space<hbm>> -> memref<128x64xf32, #tpu.memory_space<hbm>>
        %dma_wait3A_311 = arith.constant 0 : i32
        %dma_wait3A_312 = arith.constant 0 : i32
        %dma_wait3A_313 = tpu.memref_slice %arg4[%dma_wait3A_311, %dma_wait3A_312] : memref<819200x64xf32, #tpu.memory_space<hbm>> -> memref<128x64xf32, #tpu.memory_space<hbm>>
        tpu.wait_dma2 semaphore(%arg22 : memref<!tpu.dma_semaphore, #tpu.memory_space<semaphore_mem>>) src(%arg6 : memref<128x64xf32, #tpu.memory_space<vmem>>) dst(%dma_wait3A_313 : memref<128x64xf32, #tpu.memory_space<hbm>>)
        %add3A_314 = arith.constant 8 : i32
        %add3A_315 = arith.addi %add3A_114, %add3A_314 : i32
        %dma_start3A_316 = arith.constant 0 : i32
        %dma_start3A_317 = tpu.memref_slice %arg5[%add3A_315, %dma_start3A_316] : memref<200x128xi32, #tpu.memory_space<vmem>> -> memref<1x128xi32, #tpu.memory_space<vmem>>
        %dma_start3A_318 = tpu.memref_squeeze %dma_start3A_317 : memref<1x128xi32, #tpu.memory_space<vmem>> -> memref<128xi32, #tpu.memory_space<vmem>>
        %dma_start3A_319 = arith.constant 0 : i32
        %dma_start3A_320 = arith.constant 0 : i32
        %dma_start3A_321 = tpu.memref_slice %arg3[%dma_start3A_319, %dma_start3A_320] : memref<1000000x64xf32, #tpu.memory_space<hbm>> -> memref<1000000x64xf32, #tpu.memory_space<hbm>>
        tpu.enqueue_indirect_dma source(%dma_start3A_321 : memref<1000000x64xf32, #tpu.memory_space<hbm>>) target(%arg6 : memref<128x64xf32, #tpu.memory_space<vmem>>) offsets(%dma_start3A_318 : memref<128xi32, #tpu.memory_space<vmem>>) semaphore(%arg14 : memref<!tpu.dma_semaphore, #tpu.memory_space<semaphore_mem>>)
      } else {
      }
      %mul3A_133 = arith.constant 8 : i32
      %mul3A_134 = arith.muli %scan3A_110, %mul3A_133 : i32
      %add3A_135 = arith.constant 1 : i32
      %add3A_136 = arith.addi %mul3A_134, %add3A_135 : i32
      %dma_wait3A_137 = arith.constant 0 : i32
      %dma_wait3A_138 = arith.constant 0 : i32
      %dma_wait3A_139 = tpu.memref_slice %arg5[%dma_wait3A_137, %dma_wait3A_138] : memref<200x128xi32, #tpu.memory_space<vmem>> -> memref<1x128xi32, #tpu.memory_space<vmem>>
      %dma_wait3A_140 = tpu.memref_squeeze %dma_wait3A_139 : memref<1x128xi32, #tpu.memory_space<vmem>> -> memref<128xi32, #tpu.memory_space<vmem>>
      %dma_wait3A_141 = arith.constant 0 : i32
      %dma_wait3A_142 = arith.constant 0 : i32
      %dma_wait3A_143 = tpu.memref_slice %arg3[%dma_wait3A_141, %dma_wait3A_142] : memref<1000000x64xf32, #tpu.memory_space<hbm>> -> memref<1000000x64xf32, #tpu.memory_space<hbm>>
      tpu.wait_indirect_dma semaphore(%arg15 : memref<!tpu.dma_semaphore, #tpu.memory_space<semaphore_mem>>) src(%dma_wait3A_143 : memref<1000000x64xf32, #tpu.memory_space<hbm>>) dst(%arg7 : memref<128x64xf32, #tpu.memory_space<vmem>>)
      %mul3A_144 = arith.constant 128 : i32
      %mul3A_145 = arith.muli %add3A_136, %mul3A_144 : i32
      %add3A_146 = arith.addi %mul3A_2, %mul3A_145 : i32
      %dma_start3A_147 = arith.constant 0 : i32
      %dma_start3A_148 = tpu.memref_slice %arg4[%add3A_146, %dma_start3A_147] : memref<819200x64xf32, #tpu.memory_space<hbm>> -> memref<128x64xf32, #tpu.memory_space<hbm>>
      %dma_start3A_149 = arith.constant 0 : i32
      %dma_start3A_150 = tpu.memref_slice %arg4[%add3A_146, %dma_start3A_149] : memref<819200x64xf32, #tpu.memory_space<hbm>> -> memref<128x64xf32, #tpu.memory_space<hbm>>
      tpu.enqueue_dma source(%arg7 : memref<128x64xf32, #tpu.memory_space<vmem>>) target(%dma_start3A_150 : memref<128x64xf32, #tpu.memory_space<hbm>>) target_semaphore(%arg23 : memref<!tpu.dma_semaphore, #tpu.memory_space<semaphore_mem>>)
      %add3A_151 = arith.constant 8 : i32
      %add3A_152 = arith.addi %add3A_136, %add3A_151 : i32
      %lt3A_153 = arith.constant 200 : i32
      %lt3A_154 = arith.cmpi slt, %add3A_152, %lt3A_153 : i32
      %convert_element_type3A_155 = arith.extui %lt3A_154 : i1 to i32
      %cond3A_156 = arith.constant 0 : i32
      %cond3A_157 = arith.cmpi ne, %convert_element_type3A_155, %cond3A_156 : i32
      scf.if %cond3A_157 {
        %dma_wait3A_308 = arith.constant 0 : i32
        %dma_wait3A_309 = arith.constant 0 : i32
        %dma_wait3A_310 = tpu.memref_slice %arg4[%dma_wait3A_308, %dma_wait3A_309] : memref<819200x64xf32, #tpu.memory_space<hbm>> -> memref<128x64xf32, #tpu.memory_space<hbm>>
        %dma_wait3A_311 = arith.constant 0 : i32
        %dma_wait3A_312 = arith.constant 0 : i32
        %dma_wait3A_313 = tpu.memref_slice %arg4[%dma_wait3A_311, %dma_wait3A_312] : memref<819200x64xf32, #tpu.memory_space<hbm>> -> memref<128x64xf32, #tpu.memory_space<hbm>>
        tpu.wait_dma2 semaphore(%arg23 : memref<!tpu.dma_semaphore, #tpu.memory_space<semaphore_mem>>) src(%arg7 : memref<128x64xf32, #tpu.memory_space<vmem>>) dst(%dma_wait3A_313 : memref<128x64xf32, #tpu.memory_space<hbm>>)
        %add3A_314 = arith.constant 8 : i32
        %add3A_315 = arith.addi %add3A_136, %add3A_314 : i32
        %dma_start3A_316 = arith.constant 0 : i32
        %dma_start3A_317 = tpu.memref_slice %arg5[%add3A_315, %dma_start3A_316] : memref<200x128xi32, #tpu.memory_space<vmem>> -> memref<1x128xi32, #tpu.memory_space<vmem>>
        %dma_start3A_318 = tpu.memref_squeeze %dma_start3A_317 : memref<1x128xi32, #tpu.memory_space<vmem>> -> memref<128xi32, #tpu.memory_space<vmem>>
        %dma_start3A_319 = arith.constant 0 : i32
        %dma_start3A_320 = arith.constant 0 : i32
        %dma_start3A_321 = tpu.memref_slice %arg3[%dma_start3A_319, %dma_start3A_320] : memref<1000000x64xf32, #tpu.memory_space<hbm>> -> memref<1000000x64xf32, #tpu.memory_space<hbm>>
        tpu.enqueue_indirect_dma source(%dma_start3A_321 : memref<1000000x64xf32, #tpu.memory_space<hbm>>) target(%arg7 : memref<128x64xf32, #tpu.memory_space<vmem>>) offsets(%dma_start3A_318 : memref<128xi32, #tpu.memory_space<vmem>>) semaphore(%arg15 : memref<!tpu.dma_semaphore, #tpu.memory_space<semaphore_mem>>)
      } else {
      }
      %mul3A_158 = arith.constant 8 : i32
      %mul3A_159 = arith.muli %scan3A_110, %mul3A_158 : i32
      %add3A_160 = arith.constant 2 : i32
      %add3A_161 = arith.addi %mul3A_159, %add3A_160 : i32
      %dma_wait3A_162 = arith.constant 0 : i32
      %dma_wait3A_163 = arith.constant 0 : i32
      %dma_wait3A_164 = tpu.memref_slice %arg5[%dma_wait3A_162, %dma_wait3A_163] : memref<200x128xi32, #tpu.memory_space<vmem>> -> memref<1x128xi32, #tpu.memory_space<vmem>>
      %dma_wait3A_165 = tpu.memref_squeeze %dma_wait3A_164 : memref<1x128xi32, #tpu.memory_space<vmem>> -> memref<128xi32, #tpu.memory_space<vmem>>
      %dma_wait3A_166 = arith.constant 0 : i32
      %dma_wait3A_167 = arith.constant 0 : i32
      %dma_wait3A_168 = tpu.memref_slice %arg3[%dma_wait3A_166, %dma_wait3A_167] : memref<1000000x64xf32, #tpu.memory_space<hbm>> -> memref<1000000x64xf32, #tpu.memory_space<hbm>>
      tpu.wait_indirect_dma semaphore(%arg16 : memref<!tpu.dma_semaphore, #tpu.memory_space<semaphore_mem>>) src(%dma_wait3A_168 : memref<1000000x64xf32, #tpu.memory_space<hbm>>) dst(%arg8 : memref<128x64xf32, #tpu.memory_space<vmem>>)
      %mul3A_169 = arith.constant 128 : i32
      %mul3A_170 = arith.muli %add3A_161, %mul3A_169 : i32
      %add3A_171 = arith.addi %mul3A_2, %mul3A_170 : i32
      %dma_start3A_172 = arith.constant 0 : i32
      %dma_start3A_173 = tpu.memref_slice %arg4[%add3A_171, %dma_start3A_172] : memref<819200x64xf32, #tpu.memory_space<hbm>> -> memref<128x64xf32, #tpu.memory_space<hbm>>
      %dma_start3A_174 = arith.constant 0 : i32
      %dma_start3A_175 = tpu.memref_slice %arg4[%add3A_171, %dma_start3A_174] : memref<819200x64xf32, #tpu.memory_space<hbm>> -> memref<128x64xf32, #tpu.memory_space<hbm>>
      tpu.enqueue_dma source(%arg8 : memref<128x64xf32, #tpu.memory_space<vmem>>) target(%dma_start3A_175 : memref<128x64xf32, #tpu.memory_space<hbm>>) target_semaphore(%arg24 : memref<!tpu.dma_semaphore, #tpu.memory_space<semaphore_mem>>)
      %add3A_176 = arith.constant 8 : i32
      %add3A_177 = arith.addi %add3A_161, %add3A_176 : i32
      %lt3A_178 = arith.constant 200 : i32
      %lt3A_179 = arith.cmpi slt, %add3A_177, %lt3A_178 : i32
      %convert_element_type3A_180 = arith.extui %lt3A_179 : i1 to i32
      %cond3A_181 = arith.constant 0 : i32
      %cond3A_182 = arith.cmpi ne, %convert_element_type3A_180, %cond3A_181 : i32
      scf.if %cond3A_182 {
        %dma_wait3A_308 = arith.constant 0 : i32
        %dma_wait3A_309 = arith.constant 0 : i32
        %dma_wait3A_310 = tpu.memref_slice %arg4[%dma_wait3A_308, %dma_wait3A_309] : memref<819200x64xf32, #tpu.memory_space<hbm>> -> memref<128x64xf32, #tpu.memory_space<hbm>>
        %dma_wait3A_311 = arith.constant 0 : i32
        %dma_wait3A_312 = arith.constant 0 : i32
        %dma_wait3A_313 = tpu.memref_slice %arg4[%dma_wait3A_311, %dma_wait3A_312] : memref<819200x64xf32, #tpu.memory_space<hbm>> -> memref<128x64xf32, #tpu.memory_space<hbm>>
        tpu.wait_dma2 semaphore(%arg24 : memref<!tpu.dma_semaphore, #tpu.memory_space<semaphore_mem>>) src(%arg8 : memref<128x64xf32, #tpu.memory_space<vmem>>) dst(%dma_wait3A_313 : memref<128x64xf32, #tpu.memory_space<hbm>>)
        %add3A_314 = arith.constant 8 : i32
        %add3A_315 = arith.addi %add3A_161, %add3A_314 : i32
        %dma_start3A_316 = arith.constant 0 : i32
        %dma_start3A_317 = tpu.memref_slice %arg5[%add3A_315, %dma_start3A_316] : memref<200x128xi32, #tpu.memory_space<vmem>> -> memref<1x128xi32, #tpu.memory_space<vmem>>
        %dma_start3A_318 = tpu.memref_squeeze %dma_start3A_317 : memref<1x128xi32, #tpu.memory_space<vmem>> -> memref<128xi32, #tpu.memory_space<vmem>>
        %dma_start3A_319 = arith.constant 0 : i32
        %dma_start3A_320 = arith.constant 0 : i32
        %dma_start3A_321 = tpu.memref_slice %arg3[%dma_start3A_319, %dma_start3A_320] : memref<1000000x64xf32, #tpu.memory_space<hbm>> -> memref<1000000x64xf32, #tpu.memory_space<hbm>>
        tpu.enqueue_indirect_dma source(%dma_start3A_321 : memref<1000000x64xf32, #tpu.memory_space<hbm>>) target(%arg8 : memref<128x64xf32, #tpu.memory_space<vmem>>) offsets(%dma_start3A_318 : memref<128xi32, #tpu.memory_space<vmem>>) semaphore(%arg16 : memref<!tpu.dma_semaphore, #tpu.memory_space<semaphore_mem>>)
      } else {
      }
      %mul3A_183 = arith.constant 8 : i32
      %mul3A_184 = arith.muli %scan3A_110, %mul3A_183 : i32
      %add3A_185 = arith.constant 3 : i32
      %add3A_186 = arith.addi %mul3A_184, %add3A_185 : i32
      %dma_wait3A_187 = arith.constant 0 : i32
      %dma_wait3A_188 = arith.constant 0 : i32
      %dma_wait3A_189 = tpu.memref_slice %arg5[%dma_wait3A_187, %dma_wait3A_188] : memref<200x128xi32, #tpu.memory_space<vmem>> -> memref<1x128xi32, #tpu.memory_space<vmem>>
      %dma_wait3A_190 = tpu.memref_squeeze %dma_wait3A_189 : memref<1x128xi32, #tpu.memory_space<vmem>> -> memref<128xi32, #tpu.memory_space<vmem>>
      %dma_wait3A_191 = arith.constant 0 : i32
      %dma_wait3A_192 = arith.constant 0 : i32
      %dma_wait3A_193 = tpu.memref_slice %arg3[%dma_wait3A_191, %dma_wait3A_192] : memref<1000000x64xf32, #tpu.memory_space<hbm>> -> memref<1000000x64xf32, #tpu.memory_space<hbm>>
      tpu.wait_indirect_dma semaphore(%arg17 : memref<!tpu.dma_semaphore, #tpu.memory_space<semaphore_mem>>) src(%dma_wait3A_193 : memref<1000000x64xf32, #tpu.memory_space<hbm>>) dst(%arg9 : memref<128x64xf32, #tpu.memory_space<vmem>>)
      %mul3A_194 = arith.constant 128 : i32
      %mul3A_195 = arith.muli %add3A_186, %mul3A_194 : i32
      %add3A_196 = arith.addi %mul3A_2, %mul3A_195 : i32
      %dma_start3A_197 = arith.constant 0 : i32
      %dma_start3A_198 = tpu.memref_slice %arg4[%add3A_196, %dma_start3A_197] : memref<819200x64xf32, #tpu.memory_space<hbm>> -> memref<128x64xf32, #tpu.memory_space<hbm>>
      %dma_start3A_199 = arith.constant 0 : i32
      %dma_start3A_200 = tpu.memref_slice %arg4[%add3A_196, %dma_start3A_199] : memref<819200x64xf32, #tpu.memory_space<hbm>> -> memref<128x64xf32, #tpu.memory_space<hbm>>
      tpu.enqueue_dma source(%arg9 : memref<128x64xf32, #tpu.memory_space<vmem>>) target(%dma_start3A_200 : memref<128x64xf32, #tpu.memory_space<hbm>>) target_semaphore(%arg25 : memref<!tpu.dma_semaphore, #tpu.memory_space<semaphore_mem>>)
      %add3A_201 = arith.constant 8 : i32
      %add3A_202 = arith.addi %add3A_186, %add3A_201 : i32
      %lt3A_203 = arith.constant 200 : i32
      %lt3A_204 = arith.cmpi slt, %add3A_202, %lt3A_203 : i32
      %convert_element_type3A_205 = arith.extui %lt3A_204 : i1 to i32
      %cond3A_206 = arith.constant 0 : i32
      %cond3A_207 = arith.cmpi ne, %convert_element_type3A_205, %cond3A_206 : i32
      scf.if %cond3A_207 {
        %dma_wait3A_308 = arith.constant 0 : i32
        %dma_wait3A_309 = arith.constant 0 : i32
        %dma_wait3A_310 = tpu.memref_slice %arg4[%dma_wait3A_308, %dma_wait3A_309] : memref<819200x64xf32, #tpu.memory_space<hbm>> -> memref<128x64xf32, #tpu.memory_space<hbm>>
        %dma_wait3A_311 = arith.constant 0 : i32
        %dma_wait3A_312 = arith.constant 0 : i32
        %dma_wait3A_313 = tpu.memref_slice %arg4[%dma_wait3A_311, %dma_wait3A_312] : memref<819200x64xf32, #tpu.memory_space<hbm>> -> memref<128x64xf32, #tpu.memory_space<hbm>>
        tpu.wait_dma2 semaphore(%arg25 : memref<!tpu.dma_semaphore, #tpu.memory_space<semaphore_mem>>) src(%arg9 : memref<128x64xf32, #tpu.memory_space<vmem>>) dst(%dma_wait3A_313 : memref<128x64xf32, #tpu.memory_space<hbm>>)
        %add3A_314 = arith.constant 8 : i32
        %add3A_315 = arith.addi %add3A_186, %add3A_314 : i32
        %dma_start3A_316 = arith.constant 0 : i32
        %dma_start3A_317 = tpu.memref_slice %arg5[%add3A_315, %dma_start3A_316] : memref<200x128xi32, #tpu.memory_space<vmem>> -> memref<1x128xi32, #tpu.memory_space<vmem>>
        %dma_start3A_318 = tpu.memref_squeeze %dma_start3A_317 : memref<1x128xi32, #tpu.memory_space<vmem>> -> memref<128xi32, #tpu.memory_space<vmem>>
        %dma_start3A_319 = arith.constant 0 : i32
        %dma_start3A_320 = arith.constant 0 : i32
        %dma_start3A_321 = tpu.memref_slice %arg3[%dma_start3A_319, %dma_start3A_320] : memref<1000000x64xf32, #tpu.memory_space<hbm>> -> memref<1000000x64xf32, #tpu.memory_space<hbm>>
        tpu.enqueue_indirect_dma source(%dma_start3A_321 : memref<1000000x64xf32, #tpu.memory_space<hbm>>) target(%arg9 : memref<128x64xf32, #tpu.memory_space<vmem>>) offsets(%dma_start3A_318 : memref<128xi32, #tpu.memory_space<vmem>>) semaphore(%arg17 : memref<!tpu.dma_semaphore, #tpu.memory_space<semaphore_mem>>)
      } else {
      }
      %mul3A_208 = arith.constant 8 : i32
      %mul3A_209 = arith.muli %scan3A_110, %mul3A_208 : i32
      %add3A_210 = arith.constant 4 : i32
      %add3A_211 = arith.addi %mul3A_209, %add3A_210 : i32
      %dma_wait3A_212 = arith.constant 0 : i32
      %dma_wait3A_213 = arith.constant 0 : i32
      %dma_wait3A_214 = tpu.memref_slice %arg5[%dma_wait3A_212, %dma_wait3A_213] : memref<200x128xi32, #tpu.memory_space<vmem>> -> memref<1x128xi32, #tpu.memory_space<vmem>>
      %dma_wait3A_215 = tpu.memref_squeeze %dma_wait3A_214 : memref<1x128xi32, #tpu.memory_space<vmem>> -> memref<128xi32, #tpu.memory_space<vmem>>
      %dma_wait3A_216 = arith.constant 0 : i32
      %dma_wait3A_217 = arith.constant 0 : i32
      %dma_wait3A_218 = tpu.memref_slice %arg3[%dma_wait3A_216, %dma_wait3A_217] : memref<1000000x64xf32, #tpu.memory_space<hbm>> -> memref<1000000x64xf32, #tpu.memory_space<hbm>>
      tpu.wait_indirect_dma semaphore(%arg18 : memref<!tpu.dma_semaphore, #tpu.memory_space<semaphore_mem>>) src(%dma_wait3A_218 : memref<1000000x64xf32, #tpu.memory_space<hbm>>) dst(%arg10 : memref<128x64xf32, #tpu.memory_space<vmem>>)
      %mul3A_219 = arith.constant 128 : i32
      %mul3A_220 = arith.muli %add3A_211, %mul3A_219 : i32
      %add3A_221 = arith.addi %mul3A_2, %mul3A_220 : i32
      %dma_start3A_222 = arith.constant 0 : i32
      %dma_start3A_223 = tpu.memref_slice %arg4[%add3A_221, %dma_start3A_222] : memref<819200x64xf32, #tpu.memory_space<hbm>> -> memref<128x64xf32, #tpu.memory_space<hbm>>
      %dma_start3A_224 = arith.constant 0 : i32
      %dma_start3A_225 = tpu.memref_slice %arg4[%add3A_221, %dma_start3A_224] : memref<819200x64xf32, #tpu.memory_space<hbm>> -> memref<128x64xf32, #tpu.memory_space<hbm>>
      tpu.enqueue_dma source(%arg10 : memref<128x64xf32, #tpu.memory_space<vmem>>) target(%dma_start3A_225 : memref<128x64xf32, #tpu.memory_space<hbm>>) target_semaphore(%arg26 : memref<!tpu.dma_semaphore, #tpu.memory_space<semaphore_mem>>)
      %add3A_226 = arith.constant 8 : i32
      %add3A_227 = arith.addi %add3A_211, %add3A_226 : i32
      %lt3A_228 = arith.constant 200 : i32
      %lt3A_229 = arith.cmpi slt, %add3A_227, %lt3A_228 : i32
      %convert_element_type3A_230 = arith.extui %lt3A_229 : i1 to i32
      %cond3A_231 = arith.constant 0 : i32
      %cond3A_232 = arith.cmpi ne, %convert_element_type3A_230, %cond3A_231 : i32
      scf.if %cond3A_232 {
        %dma_wait3A_308 = arith.constant 0 : i32
        %dma_wait3A_309 = arith.constant 0 : i32
        %dma_wait3A_310 = tpu.memref_slice %arg4[%dma_wait3A_308, %dma_wait3A_309] : memref<819200x64xf32, #tpu.memory_space<hbm>> -> memref<128x64xf32, #tpu.memory_space<hbm>>
        %dma_wait3A_311 = arith.constant 0 : i32
        %dma_wait3A_312 = arith.constant 0 : i32
        %dma_wait3A_313 = tpu.memref_slice %arg4[%dma_wait3A_311, %dma_wait3A_312] : memref<819200x64xf32, #tpu.memory_space<hbm>> -> memref<128x64xf32, #tpu.memory_space<hbm>>
        tpu.wait_dma2 semaphore(%arg26 : memref<!tpu.dma_semaphore, #tpu.memory_space<semaphore_mem>>) src(%arg10 : memref<128x64xf32, #tpu.memory_space<vmem>>) dst(%dma_wait3A_313 : memref<128x64xf32, #tpu.memory_space<hbm>>)
        %add3A_314 = arith.constant 8 : i32
        %add3A_315 = arith.addi %add3A_211, %add3A_314 : i32
        %dma_start3A_316 = arith.constant 0 : i32
        %dma_start3A_317 = tpu.memref_slice %arg5[%add3A_315, %dma_start3A_316] : memref<200x128xi32, #tpu.memory_space<vmem>> -> memref<1x128xi32, #tpu.memory_space<vmem>>
        %dma_start3A_318 = tpu.memref_squeeze %dma_start3A_317 : memref<1x128xi32, #tpu.memory_space<vmem>> -> memref<128xi32, #tpu.memory_space<vmem>>
        %dma_start3A_319 = arith.constant 0 : i32
        %dma_start3A_320 = arith.constant 0 : i32
        %dma_start3A_321 = tpu.memref_slice %arg3[%dma_start3A_319, %dma_start3A_320] : memref<1000000x64xf32, #tpu.memory_space<hbm>> -> memref<1000000x64xf32, #tpu.memory_space<hbm>>
        tpu.enqueue_indirect_dma source(%dma_start3A_321 : memref<1000000x64xf32, #tpu.memory_space<hbm>>) target(%arg10 : memref<128x64xf32, #tpu.memory_space<vmem>>) offsets(%dma_start3A_318 : memref<128xi32, #tpu.memory_space<vmem>>) semaphore(%arg18 : memref<!tpu.dma_semaphore, #tpu.memory_space<semaphore_mem>>)
      } else {
      }
      %mul3A_233 = arith.constant 8 : i32
      %mul3A_234 = arith.muli %scan3A_110, %mul3A_233 : i32
      %add3A_235 = arith.constant 5 : i32
      %add3A_236 = arith.addi %mul3A_234, %add3A_235 : i32
      %dma_wait3A_237 = arith.constant 0 : i32
      %dma_wait3A_238 = arith.constant 0 : i32
      %dma_wait3A_239 = tpu.memref_slice %arg5[%dma_wait3A_237, %dma_wait3A_238] : memref<200x128xi32, #tpu.memory_space<vmem>> -> memref<1x128xi32, #tpu.memory_space<vmem>>
      %dma_wait3A_240 = tpu.memref_squeeze %dma_wait3A_239 : memref<1x128xi32, #tpu.memory_space<vmem>> -> memref<128xi32, #tpu.memory_space<vmem>>
      %dma_wait3A_241 = arith.constant 0 : i32
      %dma_wait3A_242 = arith.constant 0 : i32
      %dma_wait3A_243 = tpu.memref_slice %arg3[%dma_wait3A_241, %dma_wait3A_242] : memref<1000000x64xf32, #tpu.memory_space<hbm>> -> memref<1000000x64xf32, #tpu.memory_space<hbm>>
      tpu.wait_indirect_dma semaphore(%arg19 : memref<!tpu.dma_semaphore, #tpu.memory_space<semaphore_mem>>) src(%dma_wait3A_243 : memref<1000000x64xf32, #tpu.memory_space<hbm>>) dst(%arg11 : memref<128x64xf32, #tpu.memory_space<vmem>>)
      %mul3A_244 = arith.constant 128 : i32
      %mul3A_245 = arith.muli %add3A_236, %mul3A_244 : i32
      %add3A_246 = arith.addi %mul3A_2, %mul3A_245 : i32
      %dma_start3A_247 = arith.constant 0 : i32
      %dma_start3A_248 = tpu.memref_slice %arg4[%add3A_246, %dma_start3A_247] : memref<819200x64xf32, #tpu.memory_space<hbm>> -> memref<128x64xf32, #tpu.memory_space<hbm>>
      %dma_start3A_249 = arith.constant 0 : i32
      %dma_start3A_250 = tpu.memref_slice %arg4[%add3A_246, %dma_start3A_249] : memref<819200x64xf32, #tpu.memory_space<hbm>> -> memref<128x64xf32, #tpu.memory_space<hbm>>
      tpu.enqueue_dma source(%arg11 : memref<128x64xf32, #tpu.memory_space<vmem>>) target(%dma_start3A_250 : memref<128x64xf32, #tpu.memory_space<hbm>>) target_semaphore(%arg27 : memref<!tpu.dma_semaphore, #tpu.memory_space<semaphore_mem>>)
      %add3A_251 = arith.constant 8 : i32
      %add3A_252 = arith.addi %add3A_236, %add3A_251 : i32
      %lt3A_253 = arith.constant 200 : i32
      %lt3A_254 = arith.cmpi slt, %add3A_252, %lt3A_253 : i32
      %convert_element_type3A_255 = arith.extui %lt3A_254 : i1 to i32
      %cond3A_256 = arith.constant 0 : i32
      %cond3A_257 = arith.cmpi ne, %convert_element_type3A_255, %cond3A_256 : i32
      scf.if %cond3A_257 {
        %dma_wait3A_308 = arith.constant 0 : i32
        %dma_wait3A_309 = arith.constant 0 : i32
        %dma_wait3A_310 = tpu.memref_slice %arg4[%dma_wait3A_308, %dma_wait3A_309] : memref<819200x64xf32, #tpu.memory_space<hbm>> -> memref<128x64xf32, #tpu.memory_space<hbm>>
        %dma_wait3A_311 = arith.constant 0 : i32
        %dma_wait3A_312 = arith.constant 0 : i32
        %dma_wait3A_313 = tpu.memref_slice %arg4[%dma_wait3A_311, %dma_wait3A_312] : memref<819200x64xf32, #tpu.memory_space<hbm>> -> memref<128x64xf32, #tpu.memory_space<hbm>>
        tpu.wait_dma2 semaphore(%arg27 : memref<!tpu.dma_semaphore, #tpu.memory_space<semaphore_mem>>) src(%arg11 : memref<128x64xf32, #tpu.memory_space<vmem>>) dst(%dma_wait3A_313 : memref<128x64xf32, #tpu.memory_space<hbm>>)
        %add3A_314 = arith.constant 8 : i32
        %add3A_315 = arith.addi %add3A_236, %add3A_314 : i32
        %dma_start3A_316 = arith.constant 0 : i32
        %dma_start3A_317 = tpu.memref_slice %arg5[%add3A_315, %dma_start3A_316] : memref<200x128xi32, #tpu.memory_space<vmem>> -> memref<1x128xi32, #tpu.memory_space<vmem>>
        %dma_start3A_318 = tpu.memref_squeeze %dma_start3A_317 : memref<1x128xi32, #tpu.memory_space<vmem>> -> memref<128xi32, #tpu.memory_space<vmem>>
        %dma_start3A_319 = arith.constant 0 : i32
        %dma_start3A_320 = arith.constant 0 : i32
        %dma_start3A_321 = tpu.memref_slice %arg3[%dma_start3A_319, %dma_start3A_320] : memref<1000000x64xf32, #tpu.memory_space<hbm>> -> memref<1000000x64xf32, #tpu.memory_space<hbm>>
        tpu.enqueue_indirect_dma source(%dma_start3A_321 : memref<1000000x64xf32, #tpu.memory_space<hbm>>) target(%arg11 : memref<128x64xf32, #tpu.memory_space<vmem>>) offsets(%dma_start3A_318 : memref<128xi32, #tpu.memory_space<vmem>>) semaphore(%arg19 : memref<!tpu.dma_semaphore, #tpu.memory_space<semaphore_mem>>)
      } else {
      }
      %mul3A_258 = arith.constant 8 : i32
      %mul3A_259 = arith.muli %scan3A_110, %mul3A_258 : i32
      %add3A_260 = arith.constant 6 : i32
      %add3A_261 = arith.addi %mul3A_259, %add3A_260 : i32
      %dma_wait3A_262 = arith.constant 0 : i32
      %dma_wait3A_263 = arith.constant 0 : i32
      %dma_wait3A_264 = tpu.memref_slice %arg5[%dma_wait3A_262, %dma_wait3A_263] : memref<200x128xi32, #tpu.memory_space<vmem>> -> memref<1x128xi32, #tpu.memory_space<vmem>>
      %dma_wait3A_265 = tpu.memref_squeeze %dma_wait3A_264 : memref<1x128xi32, #tpu.memory_space<vmem>> -> memref<128xi32, #tpu.memory_space<vmem>>
      %dma_wait3A_266 = arith.constant 0 : i32
      %dma_wait3A_267 = arith.constant 0 : i32
      %dma_wait3A_268 = tpu.memref_slice %arg3[%dma_wait3A_266, %dma_wait3A_267] : memref<1000000x64xf32, #tpu.memory_space<hbm>> -> memref<1000000x64xf32, #tpu.memory_space<hbm>>
      tpu.wait_indirect_dma semaphore(%arg20 : memref<!tpu.dma_semaphore, #tpu.memory_space<semaphore_mem>>) src(%dma_wait3A_268 : memref<1000000x64xf32, #tpu.memory_space<hbm>>) dst(%arg12 : memref<128x64xf32, #tpu.memory_space<vmem>>)
      %mul3A_269 = arith.constant 128 : i32
      %mul3A_270 = arith.muli %add3A_261, %mul3A_269 : i32
      %add3A_271 = arith.addi %mul3A_2, %mul3A_270 : i32
      %dma_start3A_272 = arith.constant 0 : i32
      %dma_start3A_273 = tpu.memref_slice %arg4[%add3A_271, %dma_start3A_272] : memref<819200x64xf32, #tpu.memory_space<hbm>> -> memref<128x64xf32, #tpu.memory_space<hbm>>
      %dma_start3A_274 = arith.constant 0 : i32
      %dma_start3A_275 = tpu.memref_slice %arg4[%add3A_271, %dma_start3A_274] : memref<819200x64xf32, #tpu.memory_space<hbm>> -> memref<128x64xf32, #tpu.memory_space<hbm>>
      tpu.enqueue_dma source(%arg12 : memref<128x64xf32, #tpu.memory_space<vmem>>) target(%dma_start3A_275 : memref<128x64xf32, #tpu.memory_space<hbm>>) target_semaphore(%arg28 : memref<!tpu.dma_semaphore, #tpu.memory_space<semaphore_mem>>)
      %add3A_276 = arith.constant 8 : i32
      %add3A_277 = arith.addi %add3A_261, %add3A_276 : i32
      %lt3A_278 = arith.constant 200 : i32
      %lt3A_279 = arith.cmpi slt, %add3A_277, %lt3A_278 : i32
      %convert_element_type3A_280 = arith.extui %lt3A_279 : i1 to i32
      %cond3A_281 = arith.constant 0 : i32
      %cond3A_282 = arith.cmpi ne, %convert_element_type3A_280, %cond3A_281 : i32
      scf.if %cond3A_282 {
        %dma_wait3A_308 = arith.constant 0 : i32
        %dma_wait3A_309 = arith.constant 0 : i32
        %dma_wait3A_310 = tpu.memref_slice %arg4[%dma_wait3A_308, %dma_wait3A_309] : memref<819200x64xf32, #tpu.memory_space<hbm>> -> memref<128x64xf32, #tpu.memory_space<hbm>>
        %dma_wait3A_311 = arith.constant 0 : i32
        %dma_wait3A_312 = arith.constant 0 : i32
        %dma_wait3A_313 = tpu.memref_slice %arg4[%dma_wait3A_311, %dma_wait3A_312] : memref<819200x64xf32, #tpu.memory_space<hbm>> -> memref<128x64xf32, #tpu.memory_space<hbm>>
        tpu.wait_dma2 semaphore(%arg28 : memref<!tpu.dma_semaphore, #tpu.memory_space<semaphore_mem>>) src(%arg12 : memref<128x64xf32, #tpu.memory_space<vmem>>) dst(%dma_wait3A_313 : memref<128x64xf32, #tpu.memory_space<hbm>>)
        %add3A_314 = arith.constant 8 : i32
        %add3A_315 = arith.addi %add3A_261, %add3A_314 : i32
        %dma_start3A_316 = arith.constant 0 : i32
        %dma_start3A_317 = tpu.memref_slice %arg5[%add3A_315, %dma_start3A_316] : memref<200x128xi32, #tpu.memory_space<vmem>> -> memref<1x128xi32, #tpu.memory_space<vmem>>
        %dma_start3A_318 = tpu.memref_squeeze %dma_start3A_317 : memref<1x128xi32, #tpu.memory_space<vmem>> -> memref<128xi32, #tpu.memory_space<vmem>>
        %dma_start3A_319 = arith.constant 0 : i32
        %dma_start3A_320 = arith.constant 0 : i32
        %dma_start3A_321 = tpu.memref_slice %arg3[%dma_start3A_319, %dma_start3A_320] : memref<1000000x64xf32, #tpu.memory_space<hbm>> -> memref<1000000x64xf32, #tpu.memory_space<hbm>>
        tpu.enqueue_indirect_dma source(%dma_start3A_321 : memref<1000000x64xf32, #tpu.memory_space<hbm>>) target(%arg12 : memref<128x64xf32, #tpu.memory_space<vmem>>) offsets(%dma_start3A_318 : memref<128xi32, #tpu.memory_space<vmem>>) semaphore(%arg20 : memref<!tpu.dma_semaphore, #tpu.memory_space<semaphore_mem>>)
      } else {
      }
      %mul3A_283 = arith.constant 8 : i32
      %mul3A_284 = arith.muli %scan3A_110, %mul3A_283 : i32
      %add3A_285 = arith.constant 7 : i32
      %add3A_286 = arith.addi %mul3A_284, %add3A_285 : i32
      %dma_wait3A_287 = arith.constant 0 : i32
      %dma_wait3A_288 = arith.constant 0 : i32
      %dma_wait3A_289 = tpu.memref_slice %arg5[%dma_wait3A_287, %dma_wait3A_288] : memref<200x128xi32, #tpu.memory_space<vmem>> -> memref<1x128xi32, #tpu.memory_space<vmem>>
      %dma_wait3A_290 = tpu.memref_squeeze %dma_wait3A_289 : memref<1x128xi32, #tpu.memory_space<vmem>> -> memref<128xi32, #tpu.memory_space<vmem>>
      %dma_wait3A_291 = arith.constant 0 : i32
      %dma_wait3A_292 = arith.constant 0 : i32
      %dma_wait3A_293 = tpu.memref_slice %arg3[%dma_wait3A_291, %dma_wait3A_292] : memref<1000000x64xf32, #tpu.memory_space<hbm>> -> memref<1000000x64xf32, #tpu.memory_space<hbm>>
      tpu.wait_indirect_dma semaphore(%arg21 : memref<!tpu.dma_semaphore, #tpu.memory_space<semaphore_mem>>) src(%dma_wait3A_293 : memref<1000000x64xf32, #tpu.memory_space<hbm>>) dst(%arg13 : memref<128x64xf32, #tpu.memory_space<vmem>>)
      %mul3A_294 = arith.constant 128 : i32
      %mul3A_295 = arith.muli %add3A_286, %mul3A_294 : i32
      %add3A_296 = arith.addi %mul3A_2, %mul3A_295 : i32
      %dma_start3A_297 = arith.constant 0 : i32
      %dma_start3A_298 = tpu.memref_slice %arg4[%add3A_296, %dma_start3A_297] : memref<819200x64xf32, #tpu.memory_space<hbm>> -> memref<128x64xf32, #tpu.memory_space<hbm>>
      %dma_start3A_299 = arith.constant 0 : i32
      %dma_start3A_300 = tpu.memref_slice %arg4[%add3A_296, %dma_start3A_299] : memref<819200x64xf32, #tpu.memory_space<hbm>> -> memref<128x64xf32, #tpu.memory_space<hbm>>
      tpu.enqueue_dma source(%arg13 : memref<128x64xf32, #tpu.memory_space<vmem>>) target(%dma_start3A_300 : memref<128x64xf32, #tpu.memory_space<hbm>>) target_semaphore(%arg29 : memref<!tpu.dma_semaphore, #tpu.memory_space<semaphore_mem>>)
      %add3A_301 = arith.constant 8 : i32
      %add3A_302 = arith.addi %add3A_286, %add3A_301 : i32
      %lt3A_303 = arith.constant 200 : i32
      %lt3A_304 = arith.cmpi slt, %add3A_302, %lt3A_303 : i32
      %convert_element_type3A_305 = arith.extui %lt3A_304 : i1 to i32
      %cond3A_306 = arith.constant 0 : i32
      %cond3A_307 = arith.cmpi ne, %convert_element_type3A_305, %cond3A_306 : i32
      scf.if %cond3A_307 {
        %dma_wait3A_308 = arith.constant 0 : i32
        %dma_wait3A_309 = arith.constant 0 : i32
        %dma_wait3A_310 = tpu.memref_slice %arg4[%dma_wait3A_308, %dma_wait3A_309] : memref<819200x64xf32, #tpu.memory_space<hbm>> -> memref<128x64xf32, #tpu.memory_space<hbm>>
        %dma_wait3A_311 = arith.constant 0 : i32
        %dma_wait3A_312 = arith.constant 0 : i32
        %dma_wait3A_313 = tpu.memref_slice %arg4[%dma_wait3A_311, %dma_wait3A_312] : memref<819200x64xf32, #tpu.memory_space<hbm>> -> memref<128x64xf32, #tpu.memory_space<hbm>>
        tpu.wait_dma2 semaphore(%arg29 : memref<!tpu.dma_semaphore, #tpu.memory_space<semaphore_mem>>) src(%arg13 : memref<128x64xf32, #tpu.memory_space<vmem>>) dst(%dma_wait3A_313 : memref<128x64xf32, #tpu.memory_space<hbm>>)
        %add3A_314 = arith.constant 8 : i32
        %add3A_315 = arith.addi %add3A_286, %add3A_314 : i32
        %dma_start3A_316 = arith.constant 0 : i32
        %dma_start3A_317 = tpu.memref_slice %arg5[%add3A_315, %dma_start3A_316] : memref<200x128xi32, #tpu.memory_space<vmem>> -> memref<1x128xi32, #tpu.memory_space<vmem>>
        %dma_start3A_318 = tpu.memref_squeeze %dma_start3A_317 : memref<1x128xi32, #tpu.memory_space<vmem>> -> memref<128xi32, #tpu.memory_space<vmem>>
        %dma_start3A_319 = arith.constant 0 : i32
        %dma_start3A_320 = arith.constant 0 : i32
        %dma_start3A_321 = tpu.memref_slice %arg3[%dma_start3A_319, %dma_start3A_320] : memref<1000000x64xf32, #tpu.memory_space<hbm>> -> memref<1000000x64xf32, #tpu.memory_space<hbm>>
        tpu.enqueue_indirect_dma source(%dma_start3A_321 : memref<1000000x64xf32, #tpu.memory_space<hbm>>) target(%arg13 : memref<128x64xf32, #tpu.memory_space<vmem>>) offsets(%dma_start3A_318 : memref<128xi32, #tpu.memory_space<vmem>>) semaphore(%arg21 : memref<!tpu.dma_semaphore, #tpu.memory_space<semaphore_mem>>)
      } else {
      }
    }
    %scan3A_62 = arith.constant 25 : i32
    %dma_wait3A = arith.constant 0 : i32
    %dma_wait3A_63 = arith.constant 0 : i32
    %dma_wait3A_64 = tpu.memref_slice %arg4[%dma_wait3A, %dma_wait3A_63] : memref<819200x64xf32, #tpu.memory_space<hbm>> -> memref<128x64xf32, #tpu.memory_space<hbm>>
    %dma_wait3A_65 = arith.constant 0 : i32
    %dma_wait3A_66 = arith.constant 0 : i32
    %dma_wait3A_67 = tpu.memref_slice %arg4[%dma_wait3A_65, %dma_wait3A_66] : memref<819200x64xf32, #tpu.memory_space<hbm>> -> memref<128x64xf32, #tpu.memory_space<hbm>>
    tpu.wait_dma2 semaphore(%arg22 : memref<!tpu.dma_semaphore, #tpu.memory_space<semaphore_mem>>) src(%arg6 : memref<128x64xf32, #tpu.memory_space<vmem>>) dst(%dma_wait3A_67 : memref<128x64xf32, #tpu.memory_space<hbm>>)
    %dma_wait3A_68 = arith.constant 0 : i32
    %dma_wait3A_69 = arith.constant 0 : i32
    %dma_wait3A_70 = tpu.memref_slice %arg4[%dma_wait3A_68, %dma_wait3A_69] : memref<819200x64xf32, #tpu.memory_space<hbm>> -> memref<128x64xf32, #tpu.memory_space<hbm>>
    %dma_wait3A_71 = arith.constant 0 : i32
    %dma_wait3A_72 = arith.constant 0 : i32
    %dma_wait3A_73 = tpu.memref_slice %arg4[%dma_wait3A_71, %dma_wait3A_72] : memref<819200x64xf32, #tpu.memory_space<hbm>> -> memref<128x64xf32, #tpu.memory_space<hbm>>
    tpu.wait_dma2 semaphore(%arg23 : memref<!tpu.dma_semaphore, #tpu.memory_space<semaphore_mem>>) src(%arg7 : memref<128x64xf32, #tpu.memory_space<vmem>>) dst(%dma_wait3A_73 : memref<128x64xf32, #tpu.memory_space<hbm>>)
    %dma_wait3A_74 = arith.constant 0 : i32
    %dma_wait3A_75 = arith.constant 0 : i32
    %dma_wait3A_76 = tpu.memref_slice %arg4[%dma_wait3A_74, %dma_wait3A_75] : memref<819200x64xf32, #tpu.memory_space<hbm>> -> memref<128x64xf32, #tpu.memory_space<hbm>>
    %dma_wait3A_77 = arith.constant 0 : i32
    %dma_wait3A_78 = arith.constant 0 : i32
    %dma_wait3A_79 = tpu.memref_slice %arg4[%dma_wait3A_77, %dma_wait3A_78] : memref<819200x64xf32, #tpu.memory_space<hbm>> -> memref<128x64xf32, #tpu.memory_space<hbm>>
    tpu.wait_dma2 semaphore(%arg24 : memref<!tpu.dma_semaphore, #tpu.memory_space<semaphore_mem>>) src(%arg8 : memref<128x64xf32, #tpu.memory_space<vmem>>) dst(%dma_wait3A_79 : memref<128x64xf32, #tpu.memory_space<hbm>>)
    %dma_wait3A_80 = arith.constant 0 : i32
    %dma_wait3A_81 = arith.constant 0 : i32
    %dma_wait3A_82 = tpu.memref_slice %arg4[%dma_wait3A_80, %dma_wait3A_81] : memref<819200x64xf32, #tpu.memory_space<hbm>> -> memref<128x64xf32, #tpu.memory_space<hbm>>
    %dma_wait3A_83 = arith.constant 0 : i32
    %dma_wait3A_84 = arith.constant 0 : i32
    %dma_wait3A_85 = tpu.memref_slice %arg4[%dma_wait3A_83, %dma_wait3A_84] : memref<819200x64xf32, #tpu.memory_space<hbm>> -> memref<128x64xf32, #tpu.memory_space<hbm>>
    tpu.wait_dma2 semaphore(%arg25 : memref<!tpu.dma_semaphore, #tpu.memory_space<semaphore_mem>>) src(%arg9 : memref<128x64xf32, #tpu.memory_space<vmem>>) dst(%dma_wait3A_85 : memref<128x64xf32, #tpu.memory_space<hbm>>)
    %dma_wait3A_86 = arith.constant 0 : i32
    %dma_wait3A_87 = arith.constant 0 : i32
    %dma_wait3A_88 = tpu.memref_slice %arg4[%dma_wait3A_86, %dma_wait3A_87] : memref<819200x64xf32, #tpu.memory_space<hbm>> -> memref<128x64xf32, #tpu.memory_space<hbm>>
    %dma_wait3A_89 = arith.constant 0 : i32
    %dma_wait3A_90 = arith.constant 0 : i32
    %dma_wait3A_91 = tpu.memref_slice %arg4[%dma_wait3A_89, %dma_wait3A_90] : memref<819200x64xf32, #tpu.memory_space<hbm>> -> memref<128x64xf32, #tpu.memory_space<hbm>>
    tpu.wait_dma2 semaphore(%arg26 : memref<!tpu.dma_semaphore, #tpu.memory_space<semaphore_mem>>) src(%arg10 : memref<128x64xf32, #tpu.memory_space<vmem>>) dst(%dma_wait3A_91 : memref<128x64xf32, #tpu.memory_space<hbm>>)
    %dma_wait3A_92 = arith.constant 0 : i32
    %dma_wait3A_93 = arith.constant 0 : i32
    %dma_wait3A_94 = tpu.memref_slice %arg4[%dma_wait3A_92, %dma_wait3A_93] : memref<819200x64xf32, #tpu.memory_space<hbm>> -> memref<128x64xf32, #tpu.memory_space<hbm>>
    %dma_wait3A_95 = arith.constant 0 : i32
    %dma_wait3A_96 = arith.constant 0 : i32
    %dma_wait3A_97 = tpu.memref_slice %arg4[%dma_wait3A_95, %dma_wait3A_96] : memref<819200x64xf32, #tpu.memory_space<hbm>> -> memref<128x64xf32, #tpu.memory_space<hbm>>
    tpu.wait_dma2 semaphore(%arg27 : memref<!tpu.dma_semaphore, #tpu.memory_space<semaphore_mem>>) src(%arg11 : memref<128x64xf32, #tpu.memory_space<vmem>>) dst(%dma_wait3A_97 : memref<128x64xf32, #tpu.memory_space<hbm>>)
    %dma_wait3A_98 = arith.constant 0 : i32
    %dma_wait3A_99 = arith.constant 0 : i32
    %dma_wait3A_100 = tpu.memref_slice %arg4[%dma_wait3A_98, %dma_wait3A_99] : memref<819200x64xf32, #tpu.memory_space<hbm>> -> memref<128x64xf32, #tpu.memory_space<hbm>>
    %dma_wait3A_101 = arith.constant 0 : i32
    %dma_wait3A_102 = arith.constant 0 : i32
    %dma_wait3A_103 = tpu.memref_slice %arg4[%dma_wait3A_101, %dma_wait3A_102] : memref<819200x64xf32, #tpu.memory_space<hbm>> -> memref<128x64xf32, #tpu.memory_space<hbm>>
    tpu.wait_dma2 semaphore(%arg28 : memref<!tpu.dma_semaphore, #tpu.memory_space<semaphore_mem>>) src(%arg12 : memref<128x64xf32, #tpu.memory_space<vmem>>) dst(%dma_wait3A_103 : memref<128x64xf32, #tpu.memory_space<hbm>>)
    %dma_wait3A_104 = arith.constant 0 : i32
    %dma_wait3A_105 = arith.constant 0 : i32
    %dma_wait3A_106 = tpu.memref_slice %arg4[%dma_wait3A_104, %dma_wait3A_105] : memref<819200x64xf32, #tpu.memory_space<hbm>> -> memref<128x64xf32, #tpu.memory_space<hbm>>
    %dma_wait3A_107 = arith.constant 0 : i32
    %dma_wait3A_108 = arith.constant 0 : i32
    %dma_wait3A_109 = tpu.memref_slice %arg4[%dma_wait3A_107, %dma_wait3A_108] : memref<819200x64xf32, #tpu.memory_space<hbm>> -> memref<128x64xf32, #tpu.memory_space<hbm>>
    tpu.wait_dma2 semaphore(%arg29 : memref<!tpu.dma_semaphore, #tpu.memory_space<semaphore_mem>>) src(%arg13 : memref<128x64xf32, #tpu.memory_space<vmem>>) dst(%dma_wait3A_109 : memref<128x64xf32, #tpu.memory_space<hbm>>)
    return
  }
}

</mosaic_0001>

<sc_bundles>
// kernel: kernel.3.cloned.1.call-start
scs
__scs_entry_jumppad:
0x0: {  	(pc) =	sbr.rel $0x88, $3  }
0x1: {  	(tag) =	ssettag $0x0;
	lr =	simm.s32 $0x1  }
0x2: {  	[smem:$0x3F9F] =	sst lr;
	_ =	strace $0xD0000000  }
0x3: {  	_ = 	snop  }
0x4: {  	_ = 	snop  }
0x5: {  	_ = 	snop  }
0x6: {  	_ = 	snop  }
0x7: {  	_ = 	snop  }
__scs_overlays_trampoline_lowered:
0x8: {  	[smem:$0x3FAE] =	sst s0  }
0x9: {  	[smem:$0x3FAF] =	sst s1  }
0xa: {  	[smem:$0x3FB0] =	sst s2  }
0xb: {  	[smem:$0x3FB1] =	sst s3  }
0xc: {  	[smem:$0x3FB2] =	sst s4  }
0xd: {  	[smem:$0x3FB3] =	sst s5  }
0xe: {  	[smem:$0x3FB4] =	sst s6  }
0xf: {  	[smem:$0x3FB5] =	sst s7  }
0x10: {  	[smem:$0x3FB6] =	sst s8  }
0x11: {  	[smem:$0x3FB7] =	sst s9;
	s0 =	simm.s32 @!p0 $0x0  }
0x12: {  	s1 =	sld [smem:$0x3F9D];
	s0 =	simm.s32 @p0 $0x1  }
0x13: {  	[smem:$0x3FB8] =	sst s0;
	s0 =	simm.s32 @!p1 $0x0  }
0x14: {  	s2 =	sld [smem:$0x3F9C];
	s0 =	simm.s32 @p1 $0x1  }
0x15: {  	[smem:$0x3FB9] =	sst s0;
	s0 =	simm.s32 @!p2 $0x0  }
0x16: {  	s3 =	sld [smem:$0x3FDB];
	s0 =	simm.s32 @p2 $0x1  }
0x17: {  	s4 =	simm.s32 $0x1BF5;
	[smem:$0x3FBB] =	sst s0  }
0x18: {  	s0 =	sld [smem:$0x3F9E];
	_ =	swait.ge [sflag:s4], $0x0  }
0x19: {  	s7 =	sld [smem:$0x3F9F]  }
0x1a: {  	s8 =	sadd.s32 $0xFFFFE003, lr  }
0x1b: {  	s9 =	sadd.s32 $0xFFFFFEF7, lr;
	s5 =	simm.s32 $0xFFFFFFFF;
	p2 =	slt.u32 s8, $0xFFFFF086  }
0x1c: {  	p1 =	slt.u32 s9, $0xF7A;
	s5 =	simm.s32 @!p2 $0x0  }
0x1d: {  	s5 =	simm.s32 @p1 $0x1;
	p0 =	seq.s32 s7, s2  }
0x1e: {  	s7 =	smul.u32 @!p0 $0xF7A, s2;
	p2 =	seq.s32 @!p0 s5, $0x0  }
0x1f: {  	s9 =	smul.u32 $0xF7A, s1;
	s8 =	simm.s32 @!p0 $0x1BF5;
	p2 =	por !p2, p0  }
0x20: {  	[sflag:s8] =	ssyncset.s32 @!p0 $0xFFFFF086;
	s6 =	sadd.s32 @!p0 s3, s7;
	s7 =	simm.s32 @!p0 $0x108  }
0x21: {  	s3 =	sadd.s32 s3, s9;
	s6 =	sadd.s32 @!p0 $0x88, s6;
	s7 =	simm.s32 @p2 $0x1082  }
0x22: {  	[simem:s7], [sflag:s8] =	dma.local @!p0 [hbm:s6], $0xF7A  }
0x23: {  	s9 =	sor.u32 $0xD0000000, s2;
	s6 =	simm.s32 $0x108;
	_ =	swait.ge @!p0 [sflag:s8], $0x0  }
0x24: {  	s3 =	sadd.s32 $0x88, s3;
	s6 =	simm.s32 @!p1 $0x1082;
	[sflag:s4] =	ssyncset.s32 $0xFFFFF086  }
0x25: {  	[simem:s6], [sflag:s4] =	dma.local [hbm:s3], $0xF7A  }
0x26: {  	[smem:$0x3F9F] =	sst s1;
	(tag) =	ssettag s2;
	_ =	strace s9  }
0x27: {  	s1 =	sld [smem:$0x3FAF]  }
0x28: {  	s2 =	sld [smem:$0x3FB0]  }
0x29: {  	s4 =	sld [smem:$0x3FB2]  }
0x2a: {  	p0 =	seq.s32 s5, $0x0;
	s5 =	sld [smem:$0x3FB3]  }
0x2b: {  	s6 =	sld [smem:$0x3FB4]  }
0x2c: {  	s7 =	sld [smem:$0x3FB5]  }
0x2d: {  	s3 =	simm.s32 $0x108;
	s8 =	sld [smem:$0x3FB6]  }
0x2e: {  	s3 =	simm.s32 @!p0 $0x1082;
	s9 =	sld [smem:$0x3FB7]  }
0x2f: {  	lr =	sadd.s32 s0, s3;
	s0 =	sld [smem:$0x3FAE]  }
0x30: {  	s3 =	sld [smem:$0x3FB1]  }
0x31: {  	[smem:$0x3FBA] =	sst s10  }
0x32: {  	s10 =	sld [smem:$0x3FB8];
	_ =	sdelay $0x3  }
0x33: {  	p0 =	seq.s32 s10, $0x1;
	s10 =	sld [smem:$0x3FBA];
	_ =	sdelay $0x3  }
0x34: {  	[smem:$0x3FBA] =	sst s10  }
0x35: {  	s10 =	sld [smem:$0x3FB9];
	_ =	sdelay $0x3  }
0x36: {  	p1 =	seq.s32 s10, $0x1;
	s10 =	sld [smem:$0x3FBA];
	_ =	sdelay $0x3  }
0x37: {  	[smem:$0x3FBA] =	sst s10  }
0x38: {  	s10 =	sld [smem:$0x3FBB]  }
0x39: {  	_ = 	snop;
	(pc) =	sbr.ind lr, $3  }
0x3a: {  	_ = 	snop  }
0x3b: {  	_ = 	snop  }
0x3c: {  	p2 =	seq.s32 s10, $0x1;
	s10 =	sld [smem:$0x3FBA]  }
0x3d: {  	_ =	shalt  }
0x3e: {  	_ =	shalt  }
0x3f: {  	_ =	shalt  }
0x40: {  	_ =	shalt  }
0x41: {  	_ =	shalt  }
0x42: {  	_ =	shalt  }
0x43: {  	_ =	shalt  }
0x44: {  	_ =	shalt  }
0x45: {  	_ =	shalt  }
0x46: {  	_ =	shalt  }
0x47: {  	_ =	shalt  }
0x48: {  	_ =	shalt  }
0x49: {  	_ =	shalt  }
0x4a: {  	_ =	shalt  }
0x4b: {  	_ =	shalt  }
0x4c: {  	_ =	shalt  }
0x4d: {  	_ =	shalt  }
0x4e: {  	_ =	shalt  }
0x4f: {  	_ =	shalt  }
0x50: {  	_ =	shalt  }
0x51: {  	_ =	shalt  }
0x52: {  	_ =	shalt  }
0x53: {  	_ =	shalt  }
0x54: {  	_ =	shalt  }
0x55: {  	_ =	shalt  }
0x56: {  	_ =	shalt  }
0x57: {  	_ =	shalt  }
0x58: {  	_ =	shalt  }
0x59: {  	_ =	shalt  }
0x5a: {  	_ =	shalt  }
0x5b: {  	_ =	shalt  }
0x5c: {  	_ =	shalt  }
0x5d: {  	_ =	shalt  }
0x5e: {  	_ =	shalt  }
0x5f: {  	_ =	shalt  }
0x60: {  	_ =	shalt  }
0x61: {  	_ =	shalt  }
0x62: {  	_ =	shalt  }
0x63: {  	_ =	shalt  }
0x64: {  	_ =	shalt  }
0x65: {  	_ =	shalt  }
0x66: {  	_ =	shalt  }
0x67: {  	_ =	shalt  }
0x68: {  	_ =	shalt  }
0x69: {  	_ =	shalt  }
0x6a: {  	_ =	shalt  }
0x6b: {  	_ =	shalt  }
0x6c: {  	_ =	shalt  }
0x6d: {  	_ =	shalt  }
0x6e: {  	_ =	shalt  }
0x6f: {  	_ =	shalt  }
0x70: {  	_ =	shalt  }
0x71: {  	_ =	shalt  }
0x72: {  	_ =	shalt  }
0x73: {  	_ =	shalt  }
0x74: {  	_ =	shalt  }
0x75: {  	_ =	shalt  }
0x76: {  	_ =	shalt  }
0x77: {  	_ =	shalt  }
0x78: {  	_ =	shalt  }
0x79: {  	_ =	shalt  }
0x7a: {  	_ =	shalt  }
0x7b: {  	_ =	shalt  }
0x7c: {  	_ =	shalt  }
0x7d: {  	_ =	shalt  }
0x7e: {  	_ =	shalt  }
0x7f: {  	_ =	shalt  }
0x80: {  	_ =	shalt  }
0x81: {  	_ =	shalt  }
0x82: {  	_ =	shalt  }
0x83: {  	_ =	shalt  }
0x84: {  	_ =	shalt  }
0x85: {  	_ =	shalt  }
0x86: {  	_ =	shalt  }
0x87: {  	_ =	shalt  }
.Lfunc_end0:
.L_simem_size_0:
called_computation.1_lowered:
.L_overlay_start_0:
0x88: {  	s2 =	sld [smem:$0x3FD9]  }
0x89: {  	s3 =	sld [smem:$0x3FFE];
	_ =	sdelay $0x1  }
0x8a: {  	s1 =	srdreg.scid  }
0x8b: {  	s0 =	sand.u32 $0x1, s1  }
0x8c: {  	s17 =	sshll.u32 s0, $0xA;
	s2 =	sadd.s32 s3, s2  }
0x8d: {  	s2 =	sadd.s32 s2, s17  }
0x8e: {  	[smem:$0x3FC6] =	sst s2  }
0x8f: {  	_ = 	snop  }
0x90: {  	s2 =	sld [smem:$0x3FD0];
	(tm) =	ssettm $0x1  }
0x91: {  	s18 =	sld [smem:$0x3FFB];
	_ =	sdelay $0x3  }
0x92: {  	_ =	strace s18  }
0x93: {  	s3 =	sld [smem:$0x3FFC];
	_ =	sdelay $0x3  }
0x94: {  	_ =	strace s3  }
0x95: {  	s3 =	sld [smem:$0x3FFD];
	_ =	sdelay $0x3  }
0x96: {  	_ =	strace s3  }
0x97: {  	_ =	strace $0x8FFFFFFF  }
0x98: {  	s19 =	sld [smem:$0x3FDB];
	_ =	sdelay $0x1  }
0x99: {  	s4 =	simm.s32 $_scs_section_size  }
0x9a: {  	s5 =	simm.s32 $_size__tile_overlayer_lowered;
	s6 =	simm.s32 $_tile_overlayer_lowered  }
0x9b: {  	s22 =	simm.s32 $0x1BFF;
	s21 =	sshll.u32 s6, $0x1;
	s3 =	sadd.s32 s4, s19  }
0x9c: {  	s7 =	simm.s32 $0x0;
	s20 =	sshll.u32 s5, $0x1;
	s5 =	sadd.s32 s21, s3  }
0x9d: {  	[timem:s7], [sflag:s22] =	dma.local [hbm:s5], s20  }
0x9e: {  	_ =	swait.ge [sflag:s22], s20  }
0x9f: {  	s4 =	ssub.s32 $0x0, s20;
	[sflag:s22] =	ssyncset.done $0x0  }
0xa0: {  	[sflag:s22] =	ssyncadd.s32 s4;
	_ =	sdelay $0x1  }
0xa1: {  	s23 =	simm.s32 $0x1B8B  }
0xa2: {  	_ =	swait.ge [sflag:s23], $0x1  }
0xa3: {  	[sflag:s23] =	ssyncset.done $0x0  }
0xa4: {  	s25 =	simm.s32 $0x1B8E;
	s24 =	sld [smem:$0x3FFE];
	[sflag:s23] =	ssyncadd.s32 $0xFFFFFFFF  }
0xa5: {  	s26 =	simm.s32 $execute0_lowered;
	[smem:$0x3FD2] =	sst s25  }
0xa6: {  	s5 =	sshll.u32 s26, $0x1;
	_ =	strace $0x80000046;
	[dreg:$0x1] =	wrdreg $0xFFFFFFFF  }
0xa7: {  	s28 =	simm.s32 $_size_execute0_lowered;
	s3 =	sadd.s32 s3, s5;
	[dreg:$0x0] =	wrdreg $0x0  }
0xa8: {  	s5 =	sshll.u32 s28, $0x1;
	[dreg:$0x2] =	wrdreg s3  }
0xa9: {  	[dreg:$0x3] =	wrdreg s5  }
0xaa: {  	[dreg:$0x4] =	wrdreg $0xC0  }
0xab: {  	_ =	task [dreg:s7], $0x5FFFF  }
0xac: {  	[dreg:$0x1] =	wrdreg $0xFFFFFFFF  }
0xad: {  	[dreg:$0x0] =	wrdreg $0x60  }
0xae: {  	[dreg:$0x2] =	wrdreg s24  }
0xaf: {  	[dreg:$0x3] =	wrdreg s2  }
0xb0: {  	[dreg:$0x4] =	wrdreg $0x9  }
0xb1: {  	_ =	task.clear_ibuf [dreg:s7], $0x5FFFF;
	_ =	strace $0x90000046  }
0xb2: {  	s29 =	simm.s32 $0x9;
	_ =	strace $0x80000048  }
0xb3: {  	_ =	swait.ge [sflag:s29], $0x1  }
0xb4: {  	[sflag:s29] =	ssyncadd.s32 $0xFFFFFFFF  }
0xb5: {  	_ =	strace $0x90000048  }
0xb6: {  	_ =	sfence  }
0xb7: {  	s30 =	sld [smem:$0x0];
	_ =	sdelay $0x2  }
0xb8: {  	s31 =	sshll.u32 s1, $0xD;
	s1 =	sshrl.u32 s1, $0x2  }
0xb9: {  	s3 =	sand.u32 $0x4000, s31;
	s1 =	sadd.s32 s1, s30  }
0xba: {  	s0 =	sor.u32 s3, s0;
	s1 =	sshll.u32 s1, $0x11  }
0xbb: {  	s0 =	sor.u32 s1, s0  }
0xbc: {  	s0 =	sadd.s32 $0x8F2B, s0  }
0xbd: {  	[sflag:s0] =	ssyncadd.remote.s32 $0x1  }
0xbe: {  	_ =	sfence.sel $0xFFFF  }
0xbf: {  	[dreg:$0x0] =	wrdreg $0xFFFFFFFF;
	(pc) =	sbr.abs _section_cstart, $3  }
0xc0: {  	[dreg:$0x1] =	wrdreg $0xFFFFFFFF  }
0xc1: {  	_ =	task.clear_ibuf [dreg:s7], $0x2FFFF;
	_ =	strace $0x9FFFFFFF  }
0xc2: {  	(tm) =	ssettm $0x7FFFFFFF  }
0xc3: {  	_ =	shalt  }
tec
execute0_lowered:
.L_overlay_start_1:
0x0: {  	(tag) =	ssettag $0x1  }
0x1: {  	s0 =	srdreg.scid;
	s3 =	rddreg [dreg:$0x0]  }
0x2: {  	s6 =	stileid.u32;
	s4 =	rddreg [dreg:$0x1];
	s2 =	simm.s32 $0x0  }
0x3: {  	s15 =	simm.s32 $0x80;
	s19 =	simm.s32 $0xA400;
	s21 =	simm.s32 $0xC400  }
0x4: {  	s23 =	simm.s32 $0xE400;
	s28 =	simm.s32 $0x12400;
	s30 =	simm.s32 $0x14400  }
0x5: {  	s31 =	simm.s32 $0x1;
	s18 =	simm.s32 $0x4;
	s20 =	simm.s32 $0x5  }
0x6: {  	s22 =	simm.s32 $0x6;
	s14 =	simm.s32 $0x10;
	s5 =	smul.u32 $0x320000, s6  }
0x7: {  	s0 =	sand.u32 $0x1, s0;
	s1 =	sshll.u32 s6, $0x1;
	s6 =	smul.u32 $0xC800, s6  }
0x8: {  	[smem:$0x7FF] =	sst s2;
	s1 =	sor.u32 s0, s1;
	s7 =	smul.u32 $0x6400, s0  }
0x9: {  	_ =	strace $0x80000047;
	s8 =	ssub.s32 $0x2, s0;
	s0 =	smul.u32 $0x190000, s0  }
0xa: {  	s1 =	smul.u32 $0x6400, s1;
	s9 =	sshrl.u32 s8, $0x1;
	s6 =	sadd.s32 s7, s6  }
0xb: {  	s24 =	ssub.s32 s8, s9;
	s0 =	sadd.s32 s0, s5;
	s5 =	simm.s32 $0x0  }
0xc: {  	s1 =	sshrl.u32 s1, $0x3;
	s25 =	sshll.u32 s6, $0x3;
	s0 =	sshrl.u32 s0, $0x3  }
0xd: {  	s29 =	smax.u32 s24, $0x1;
	s24 =	simm.s32 $0x7;
	s1 =	sadd.s32 s1, s3  }
0xe: {  	s3 =	sadd.s32 $0xF42E00, s3;
	s26 =	sadd.s32 s25, s4;
	[dreg:$0x4] =	wrdreg s29  }
.Ltmp0:
0xf: {  	s6 =	sadd.s32 s0, s4;
	s25 =	simm.s32 $0x10400;
	(pc) =	sbr.rel .LBB2_1-.Ltmp0, $4  }
0x10: {  	s0 =	simm.s32 $0x3;
	s1 =	sadd.s32 $0xA00, s1;
	s7 =	sadd.s32 $0x1C00, s26  }
0x11: {  	s8 =	sadd.s32 $0x1800, s26;
	s9 =	sadd.s32 $0x1400, s26;
	s10 =	sadd.s32 $0x1000, s26  }
0x12: {  	s11 =	sadd.s32 $0xC00, s26;
	s12 =	sadd.s32 $0x800, s26;
	s13 =	sadd.s32 $0x400, s26  }
0x13: {  	s26 =	simm.s32 $0x8;
	[dreg:$0x3] =	wrdreg s1;
	s1 =	simm.s32 $0x2  }
.LBB2_4:
0x14: {  	s4 =	simm.s32 $0x9  }
0x15: {  	_ =	swait.ge [sflag:s4], $0x2000  }
0x16: {  	[sflag:s4] =	ssyncset.done $0x0  }
0x17: {  	s16 =	simm.s32 $0xA;
	[sflag:s4] =	ssyncadd.s32 $0xFFFFE000  }
0x18: {  	_ =	swait.ge [sflag:s16], $0x2000  }
0x19: {  	[sflag:s16] =	ssyncset.done $0x0  }
0x1a: {  	s17 =	simm.s32 $0xB;
	[sflag:s16] =	ssyncadd.s32 $0xFFFFE000  }
0x1b: {  	_ =	swait.ge [sflag:s17], $0x2000  }
0x1c: {  	[sflag:s17] =	ssyncset.done $0x0  }
0x1d: {  	s29 =	simm.s32 $0xC;
	[sflag:s17] =	ssyncadd.s32 $0xFFFFE000  }
0x1e: {  	_ =	swait.ge [sflag:s29], $0x2000  }
0x1f: {  	[sflag:s29] =	ssyncset.done $0x0  }
0x20: {  	s5 =	simm.s32 $0xD;
	[sflag:s29] =	ssyncadd.s32 $0xFFFFE000  }
0x21: {  	_ =	swait.ge [sflag:s5], $0x2000  }
0x22: {  	[sflag:s5] =	ssyncset.done $0x0  }
0x23: {  	s16 =	simm.s32 $0xE;
	[sflag:s5] =	ssyncadd.s32 $0xFFFFE000  }
0x24: {  	_ =	swait.ge [sflag:s16], $0x2000  }
0x25: {  	[sflag:s16] =	ssyncset.done $0x0  }
0x26: {  	s17 =	simm.s32 $0xF;
	[sflag:s16] =	ssyncadd.s32 $0xFFFFE000  }
0x27: {  	_ =	swait.ge [sflag:s17], $0x2000  }
0x28: {  	[sflag:s17] =	ssyncset.done $0x0  }
0x29: {  	[sflag:s17] =	ssyncadd.s32 $0xFFFFE000  }
0x2a: {  	_ =	swait.ge [sflag:s14], $0x2000  }
0x2b: {  	s5 =	rddreg [dreg:$0x5]  }
0x2c: {  	s29 =	rddreg [dreg:$0x4];
	s5 =	sadd.s32 $0x1, s5  }
0x2d: {  	p0 =	sne.s32 s5, s29  }
.Ltmp1:
0x2e: {  	_ = 	snop;
	(pc) =	sbr.rel @!p0 .LBB2_5-.Ltmp1, $3  }
0x2f: {  	_ =	sdelay $0x1  }
0x30: {  	[sflag:s14] =	ssyncset.done $0x0  }
0x31: {  	[sflag:s14] =	ssyncadd.s32 $0xFFFFE000  }
.LBB2_1:
0x32: {  	[dreg:$0x5] =	wrdreg s5  }
0x33: {  	s4 =	rddreg [dreg:$0x3];
	s29 =	simm.s32 $0x11  }
0x34: {  	[tilespmem:s2], [sflag:$0x11] =	stream.linear.gather [hbm4b:s4+s2], $0x6400, $0x38;
	[tilespmem:$0x16400] =	vst v63  }
0x35: {  	_ =	swait.ge [sflag:s29], $0x6400  }
0x36: {  	[sflag:s29] =	ssyncset.done $0x0  }
0x37: {  	s5 =	simm.s32 $0x6400;
	[sflag:s29] =	ssyncadd.s32 $0xFFFF9C00  }
0x38: {  	[tilespmem:s5], [sflag:$0x1] =	stream.indirect.gather [hbm4b:s3+s15], $0x40, s2, s15, $0xb8;
	[tilespmem:$0x16400] =	vst v63  }
0x39: {  	s16 =	simm.s32 $0x8400  }
0x3a: {  	[tilespmem:s16], [sflag:$0x2] =	stream.indirect.gather [hbm4b:s3+s15], $0x40, s15, s15, $0xb8;
	[tilespmem:$0x16400] =	vst v63  }
0x3b: {  	s17 =	simm.s32 $0x100  }
0x3c: {  	[tilespmem:s19], [sflag:$0x3] =	stream.indirect.gather [hbm4b:s3+s15], $0x40, s17, s15, $0xb8;
	[tilespmem:$0x16400] =	vst v63  }
0x3d: {  	s29 =	simm.s32 $0x180  }
0x3e: {  	[tilespmem:s21], [sflag:$0x4] =	stream.indirect.gather [hbm4b:s3+s15], $0x40, s29, s15, $0xb8;
	[tilespmem:$0x16400] =	vst v63  }
0x3f: {  	s5 =	simm.s32 $0x200  }
0x40: {  	[tilespmem:s23], [sflag:$0x5] =	stream.indirect.gather [hbm4b:s3+s15], $0x40, s5, s15, $0xb8;
	[tilespmem:$0x16400] =	vst v63  }
0x41: {  	s16 =	simm.s32 $0x280  }
0x42: {  	[tilespmem:s25], [sflag:$0x6] =	stream.indirect.gather [hbm4b:s3+s15], $0x40, s16, s15, $0xb8;
	[tilespmem:$0x16400] =	vst v63  }
0x43: {  	s17 =	simm.s32 $0x300  }
0x44: {  	[tilespmem:s28], [sflag:$0x7] =	stream.indirect.gather [hbm4b:s3+s15], $0x40, s17, s15, $0xb8;
	[tilespmem:$0x16400] =	vst v63  }
0x45: {  	s4 =	simm.s32 $0x400;
	s29 =	simm.s32 $0x380;
	s5 =	simm.s32 $0x0  }
0x46: {  	[tilespmem:s30], [sflag:$0x8] =	stream.indirect.gather [hbm4b:s3+s15], $0x40, s29, s15, $0xb8;
	[tilespmem:$0x16400] =	vst v63  }
.LBB2_2:
0x47: {  	_ =	swait.ge [sflag:s31], $0x2000  }
0x48: {  	s29 =	sadd.s32 s5, s6;
	[sflag:s31] =	ssyncset.done $0x0  }
0x49: {  	s16 =	simm.s32 $0x6400;
	p0 =	seq.s32 s5, $0x30000;
	[sflag:s31] =	ssyncadd.s32 $0xFFFFE000  }
0x4a: {  	[hbm4b:s29+s2] =	stream.linear.scatter [tilespmem:s16], [sflag:$0x9], $0x2000, $0x38;
	[tilespmem:$0x16400] =	vst v63  }
0x4b: {  	s29 =	simm.s32 @!p0 $0x9  }
0x4c: {  	_ =	swait.ge @!p0 [sflag:s29], $0x2000  }
0x4d: {  	[sflag:s29] =	ssyncset.done @!p0 $0x0  }
0x4e: {  	s16 =	simm.s32 @!p0 $0x6400;
	[sflag:s29] =	ssyncadd.s32 @!p0 $0xFFFFE000;
	s29 =	simm.s32 @!p0 $0x80  }
0x4f: {  	[tilespmem:s16], [sflag:$0x1] =	stream.indirect.gather @!p0 [hbm4b:s3+s29], $0x40, s4, s29, $0xb8;
	[tilespmem:$0x16400] =	vst v63  }
0x50: {  	_ =	swait.ge [sflag:s1], $0x2000  }
0x51: {  	[sflag:s1] =	ssyncset.done $0x0  }
0x52: {  	s17 =	simm.s32 $0x8400;
	s16 =	sadd.s32 s5, s13;
	[sflag:s1] =	ssyncadd.s32 $0xFFFFE000  }
0x53: {  	[hbm4b:s16+s2] =	stream.linear.scatter [tilespmem:s17], [sflag:$0xA], $0x2000, $0x38;
	[tilespmem:$0x16400] =	vst v63  }
0x54: {  	s16 =	simm.s32 @!p0 $0xA  }
0x55: {  	_ =	swait.ge @!p0 [sflag:s16], $0x2000  }
0x56: {  	[sflag:s16] =	ssyncset.done @!p0 $0x0  }
0x57: {  	s17 =	simm.s32 @!p0 $0x8400;
	[sflag:s16] =	ssyncadd.s32 @!p0 $0xFFFFE000;
	s16 =	sadd.s32 @!p0 $0x80, s4  }
0x58: {  	[tilespmem:s17], [sflag:$0x2] =	stream.indirect.gather @!p0 [hbm4b:s3+s29], $0x40, s16, s29, $0xb8;
	[tilespmem:$0x16400] =	vst v63  }
0x59: {  	_ =	swait.ge [sflag:s0], $0x2000  }
0x5a: {  	[sflag:s0] =	ssyncset.done $0x0  }
0x5b: {  	s17 =	sadd.s32 s5, s12;
	s16 =	simm.s32 @!p0 $0xB;
	[sflag:s0] =	ssyncadd.s32 $0xFFFFE000  }
0x5c: {  	[hbm4b:s17+s2] =	stream.linear.scatter [tilespmem:s19], [sflag:$0xB], $0x2000, $0x38;
	[tilespmem:$0x16400] =	vst v63  }
0x5d: {  	_ =	swait.ge @!p0 [sflag:s16], $0x2000  }
0x5e: {  	[sflag:s16] =	ssyncset.done @!p0 $0x0  }
0x5f: {  	s17 =	simm.s32 @!p0 $0xA400;
	[sflag:s16] =	ssyncadd.s32 @!p0 $0xFFFFE000;
	s16 =	sadd.s32 @!p0 $0x100, s4  }
0x60: {  	[tilespmem:s17], [sflag:$0x3] =	stream.indirect.gather @!p0 [hbm4b:s3+s29], $0x40, s16, s29, $0xb8;
	[tilespmem:$0x16400] =	vst v63  }
0x61: {  	_ =	swait.ge [sflag:s18], $0x2000  }
0x62: {  	[sflag:s18] =	ssyncset.done $0x0  }
0x63: {  	s17 =	sadd.s32 s5, s11;
	s16 =	simm.s32 @!p0 $0xC;
	[sflag:s18] =	ssyncadd.s32 $0xFFFFE000  }
0x64: {  	[hbm4b:s17+s2] =	stream.linear.scatter [tilespmem:s21], [sflag:$0xC], $0x2000, $0x38;
	[tilespmem:$0x16400] =	vst v63  }
0x65: {  	_ =	swait.ge @!p0 [sflag:s16], $0x2000  }
0x66: {  	[sflag:s16] =	ssyncset.done @!p0 $0x0  }
0x67: {  	s17 =	simm.s32 @!p0 $0xC400;
	[sflag:s16] =	ssyncadd.s32 @!p0 $0xFFFFE000;
	s16 =	sadd.s32 @!p0 $0x180, s4  }
0x68: {  	[tilespmem:s17], [sflag:$0x4] =	stream.indirect.gather @!p0 [hbm4b:s3+s29], $0x40, s16, s29, $0xb8;
	[tilespmem:$0x16400] =	vst v63  }
0x69: {  	_ =	swait.ge [sflag:s20], $0x2000  }
0x6a: {  	[sflag:s20] =	ssyncset.done $0x0  }
0x6b: {  	s17 =	sadd.s32 s5, s10;
	s16 =	simm.s32 @!p0 $0xD;
	[sflag:s20] =	ssyncadd.s32 $0xFFFFE000  }
0x6c: {  	[hbm4b:s17+s2] =	stream.linear.scatter [tilespmem:s23], [sflag:$0xD], $0x2000, $0x38;
	[tilespmem:$0x16400] =	vst v63  }
0x6d: {  	_ =	swait.ge @!p0 [sflag:s16], $0x2000  }
0x6e: {  	[sflag:s16] =	ssyncset.done @!p0 $0x0  }
0x6f: {  	s17 =	simm.s32 @!p0 $0xE400;
	[sflag:s16] =	ssyncadd.s32 @!p0 $0xFFFFE000;
	s16 =	sadd.s32 @!p0 $0x200, s4  }
0x70: {  	[tilespmem:s17], [sflag:$0x5] =	stream.indirect.gather @!p0 [hbm4b:s3+s29], $0x40, s16, s29, $0xb8;
	[tilespmem:$0x16400] =	vst v63  }
0x71: {  	_ =	swait.ge [sflag:s22], $0x2000  }
0x72: {  	[sflag:s22] =	ssyncset.done $0x0  }
0x73: {  	s17 =	sadd.s32 s5, s9;
	s16 =	simm.s32 @!p0 $0xE;
	[sflag:s22] =	ssyncadd.s32 $0xFFFFE000  }
0x74: {  	[hbm4b:s17+s2] =	stream.linear.scatter [tilespmem:s25], [sflag:$0xE], $0x2000, $0x38;
	[tilespmem:$0x16400] =	vst v63  }
0x75: {  	_ =	swait.ge @!p0 [sflag:s16], $0x2000  }
0x76: {  	[sflag:s16] =	ssyncset.done @!p0 $0x0  }
0x77: {  	s17 =	simm.s32 @!p0 $0x10400;
	[sflag:s16] =	ssyncadd.s32 @!p0 $0xFFFFE000;
	s16 =	sadd.s32 @!p0 $0x280, s4  }
0x78: {  	[tilespmem:s17], [sflag:$0x6] =	stream.indirect.gather @!p0 [hbm4b:s3+s29], $0x40, s16, s29, $0xb8;
	[tilespmem:$0x16400] =	vst v63  }
0x79: {  	_ =	swait.ge [sflag:s24], $0x2000  }
0x7a: {  	[sflag:s24] =	ssyncset.done $0x0  }
0x7b: {  	s17 =	sadd.s32 s5, s8;
	s16 =	simm.s32 @!p0 $0xF;
	[sflag:s24] =	ssyncadd.s32 $0xFFFFE000  }
0x7c: {  	[hbm4b:s17+s2] =	stream.linear.scatter [tilespmem:s28], [sflag:$0xF], $0x2000, $0x38;
	[tilespmem:$0x16400] =	vst v63  }
0x7d: {  	_ =	swait.ge @!p0 [sflag:s16], $0x2000  }
0x7e: {  	[sflag:s16] =	ssyncset.done @!p0 $0x0  }
0x7f: {  	s17 =	simm.s32 @!p0 $0x12400;
	[sflag:s16] =	ssyncadd.s32 @!p0 $0xFFFFE000;
	s16 =	sadd.s32 @!p0 $0x300, s4  }
0x80: {  	[tilespmem:s17], [sflag:$0x7] =	stream.indirect.gather @!p0 [hbm4b:s3+s29], $0x40, s16, s29, $0xb8;
	[tilespmem:$0x16400] =	vst v63  }
.Ltmp2:
0x81: {  	_ = 	snop;
	(pc) =	sbr.rel @p0 .LBB2_4-.Ltmp2, $4  }
0x82: {  	_ =	swait.ge [sflag:s26], $0x2000  }
0x83: {  	[sflag:s26] =	ssyncset.done $0x0  }
0x84: {  	s29 =	sadd.s32 s5, s7;
	[sflag:s26] =	ssyncadd.s32 $0xFFFFE000  }
0x85: {  	[hbm4b:s29+s2] =	stream.linear.scatter [tilespmem:s30], [sflag:$0x10], $0x2000, $0x38;
	[tilespmem:$0x16400] =	vst v63  }
.Ltmp3:
0x86: {  	(pc) =	sbr.rel .LBB2_2-.Ltmp3, $4  }
0x87: {  	_ =	swait.ge [sflag:s14], $0x2000  }
0x88: {  	s16 =	sadd.s32 $0x380, s4;
	[sflag:s14] =	ssyncset.done $0x0  }
0x89: {  	s5 =	sadd.s32 $0x2000, s5;
	s4 =	sadd.s32 $0x400, s4;
	[sflag:s14] =	ssyncadd.s32 $0xFFFFE000  }
0x8a: {  	[tilespmem:s30], [sflag:$0x8] =	stream.indirect.gather [hbm4b:s3+s15], $0x40, s16, s15, $0xb8;
	[tilespmem:$0x16400] =	vst v63  }
.LBB2_5:
0x8b: {  	_ =	sfence.sel $0x180000  }
0x8c: {  	[bflag:$0x0] =	sbarrier.arrive $0xFFFF  }
0x8d: {  	_ =	strace $0x90000047  }
0x8e: {  	s0 =	stileid.u32;
	[bflag:$0x2] =	sbarrier.arrive $0xFFFF  }
0x8f: {  	p0 =	sne.s32 s0, $0x0;
	s0 =	rddreg [dreg:$0x2]  }
0x90: {  	s0 =	sadd.s32 @!p0 $0x100000, s0  }
0x91: {  	[sflag:s0] =	ssyncadd.tile.s32 @!p0 $0x1;
	_ =	shalt  }
.Lfunc_end2:
_tile_overlayer_lowered:
.L_overlay_start_2:
0x92: {  	(tag) =	ssettag $0x2  }
0x93: {  	s0 =	rddreg [dreg:$0x0];
	s2 =	stileid.u32  }
0x94: {  	s1 =	rddreg [dreg:$0x1];
	p0 =	sne.s32 s2, $0x0  }
0x95: {  	s3 =	rddreg [dreg:$0x2];
	[bflag:$0x3] =	sbarrier.arrive $0xFFFF;
	s2 =	simm.s32 @!p0 $0x1C11  }
0x96: {  	[timem:s3], [sflag:s2] =	dma.local @!p0 [hbm:s0], s1  }
0x97: {  	s0 =	simm.s32 @!p0 $0x11  }
0x98: {  	_ =	swait.ge @!p0 [sflag:s0], s1  }
0x99: {  	s1 =	ssub.s32 @!p0 $0x0, s1;
	[sflag:s0] =	ssyncset.done @!p0 $0x0  }
0x9a: {  	[sflag:s0] =	ssyncadd.s32 @!p0 s1  }
0x9b: {  	[bflag:$0x3] =	sbarrier.arrive $0xFFFF  }
0x9c: {  	_ =	shalt  }

// kernel: sparse-core-data-format-call.cloned.1.call-start
scs
called_computation_lowered:
.L_overlay_start_0:
0x0: {  	s2 =	sld [smem:$0x3FD9]  }
0x1: {  	s3 =	sld [smem:$0x3FFE];
	_ =	sdelay $0x1  }
0x2: {  	s1 =	srdreg.scid  }
0x3: {  	s0 =	sand.u32 $0x1, s1  }
0x4: {  	s18 =	sshll.u32 s0, $0xA;
	s2 =	sadd.s32 s3, s2  }
0x5: {  	s2 =	sadd.s32 s2, s18  }
0x6: {  	[smem:$0x3FC6] =	sst s2  }
0x7: {  	_ = 	snop  }
0x8: {  	s2 =	sld [smem:$0x3FD0];
	(tm) =	ssettm $0x1  }
0x9: {  	s19 =	sld [smem:$0x3FFB];
	_ =	sdelay $0x3  }
0xa: {  	_ =	strace s19  }
0xb: {  	s3 =	sld [smem:$0x3FFC];
	_ =	sdelay $0x3  }
0xc: {  	_ =	strace s3  }
0xd: {  	s3 =	sld [smem:$0x3FFD];
	_ =	sdelay $0x3  }
0xe: {  	_ =	strace s3  }
0xf: {  	_ =	strace $0x8FFFFFFF  }
0x10: {  	s20 =	sld [smem:$0x3FDB];
	_ =	sdelay $0x1  }
0x11: {  	s4 =	simm.s32 $_scs_section_size  }
0x12: {  	s5 =	simm.s32 $_size__tile_overlayer_lowered;
	s6 =	simm.s32 $_tile_overlayer_lowered  }
0x13: {  	s23 =	simm.s32 $0x1BFF;
	s22 =	sshll.u32 s6, $0x1;
	s3 =	sadd.s32 s4, s20  }
0x14: {  	s7 =	simm.s32 $0x0;
	s21 =	sshll.u32 s5, $0x1;
	s5 =	sadd.s32 s22, s3  }
0x15: {  	[timem:s7], [sflag:s23] =	dma.local [hbm:s5], s21  }
0x16: {  	_ =	swait.ge [sflag:s23], s21  }
0x17: {  	s4 =	ssub.s32 $0x0, s21;
	[sflag:s23] =	ssyncset.done $0x0  }
0x18: {  	[sflag:s23] =	ssyncadd.s32 s4;
	_ =	sdelay $0x1  }
0x19: {  	s24 =	simm.s32 $0x1B8B  }
0x1a: {  	_ =	swait.ge [sflag:s24], $0x1  }
0x1b: {  	[sflag:s24] =	ssyncset.done $0x0  }
0x1c: {  	s26 =	simm.s32 $0x1B8E;
	s25 =	sld [smem:$0x3FFE];
	[sflag:s24] =	ssyncadd.s32 $0xFFFFFFFF  }
0x1d: {  	s27 =	simm.s32 $execute0_lowered;
	[smem:$0x3FD2] =	sst s26  }
0x1e: {  	s5 =	sshll.u32 s27, $0x1;
	_ =	strace $0x80000049;
	[dreg:$0x1] =	wrdreg $0xFFFFFFFF  }
0x1f: {  	s28 =	simm.s32 $_size_execute0_lowered;
	s3 =	sadd.s32 s3, s5;
	[dreg:$0x0] =	wrdreg $0x0  }
0x20: {  	s5 =	sshll.u32 s28, $0x1;
	[dreg:$0x2] =	wrdreg s3  }
0x21: {  	[dreg:$0x3] =	wrdreg s5  }
0x22: {  	[dreg:$0x4] =	wrdreg $0xC0  }
0x23: {  	_ =	task [dreg:s7], $0x5FFFF  }
0x24: {  	[dreg:$0x1] =	wrdreg $0xFFFFFFFF  }
0x25: {  	[dreg:$0x0] =	wrdreg $0x60  }
0x26: {  	[dreg:$0x2] =	wrdreg s25  }
0x27: {  	[dreg:$0x3] =	wrdreg s2  }
0x28: {  	[dreg:$0x4] =	wrdreg $0x9  }
0x29: {  	_ =	task.clear_ibuf [dreg:s7], $0x5FFFF;
	_ =	strace $0x90000049  }
0x2a: {  	s29 =	simm.s32 $0x9;
	_ =	strace $0x8000004B  }
0x2b: {  	_ =	swait.ge [sflag:s29], $0x1  }
0x2c: {  	[sflag:s29] =	ssyncadd.s32 $0xFFFFFFFF  }
0x2d: {  	_ =	strace $0x9000004B  }
0x2e: {  	_ =	sfence  }
0x2f: {  	s30 =	sld [smem:$0x0];
	_ =	sdelay $0x2  }
0x30: {  	s31 =	sshll.u32 s1, $0xD;
	s1 =	sshrl.u32 s1, $0x2  }
0x31: {  	s3 =	sand.u32 $0x4000, s31;
	s1 =	sadd.s32 s1, s30  }
0x32: {  	s0 =	sor.u32 s3, s0;
	s1 =	sshll.u32 s1, $0x11  }
0x33: {  	s0 =	sor.u32 s1, s0  }
0x34: {  	s0 =	sadd.s32 $0x8F2B, s0  }
0x35: {  	[sflag:s0] =	ssyncadd.remote.s32 $0x1  }
0x36: {  	_ =	sfence.sel $0xFFFF  }
0x37: {  	[dreg:$0x0] =	wrdreg $0xFFFFFFFF;
	(pc) =	sbr.abs _section_cstart, $3  }
0x38: {  	[dreg:$0x1] =	wrdreg $0xFFFFFFFF  }
0x39: {  	_ =	task.clear_ibuf [dreg:s7], $0x2FFFF;
	_ =	strace $0x9FFFFFFF  }
0x3a: {  	(tm) =	ssettm $0x7FFFFFFF  }
0x3b: {  	_ =	shalt  }
tec
execute0_lowered:
.L_overlay_start_1:
0x0: {  	(tag) =	ssettag $0x1  }
0x1: {  	s0 =	srdreg.scid  }
0x2: {  	s1 =	sshll.u32 s0, $0x4  }
0x3: {  	s0 =	stileid.u32;
	s1 =	sand.u32 $0x10, s1  }
0x4: {  	s1 =	sor.u32 s0, s1  }
0x5: {  	s6 =	rddreg [dreg:$0x0];
	s4 =	simm.s32 $0x1;
	s2 =	sshll.u32 s1, $0x7  }
0x6: {  	s7 =	simm.s32 $0x2;
	s12 =	simm.s32 $0x0;
	s1 =	ssub.s32 $0x1000, s2  }
0x7: {  	s8 =	simm.s32 $0x8000;
	s13 =	simm.s32 $0x0;
	s3 =	sand.u32 $0xF80, s1  }
0x8: {  	s9 =	simm.s32 $0x0;
	s5 =	sshrl.u32 s1, $0xC;
	p0 =	sne.s32 s3, $0x0  }
.Ltmp0:
0x9: {  	s1 =	rddreg [dreg:$0x2];
	s4 =	simm.s32 @!p0 $0x0;
	(pc) =	sbr.rel .LBB1_1-.Ltmp0, $4  }
0xa: {  	s11 =	simm.s32 $0x0;
	s3 =	rddreg [dreg:$0x1];
	s5 =	sadd.s32 s4, s5  }
0xb: {  	_ =	strace $0x8000004A;
	s4 =	simm.s32 $0x1;
	s5 =	smul.u32 $0xC8, s5  }
0xc: {  	s6 =	sadd.s32 $0xA00, s6;
	s10 =	smov.u32 s2;
	[sflag:s4] =	ssyncpa.u1 $0x0  }
0xd: {  	p0 =	por $0x0, $0x0;
	[sflag:s7] =	ssyncpa.u1 $0x0;
	s7 =	sor.u32 $0x1, s5  }
.LBB1_4:
0xe: {  	s16 =	sshll.u32 s13, $0x3;
	s17 =	sand.u32 $0x78, s13  }
0xf: {  	s30 =	sand.u32 $0x7E00, s13;
	s12 =	sshll.u32 s12, $0xF;
	s16 =	sand.u32 $0xC00, s16  }
0x10: {  	[tilespmem:s15+$0x810 ss:$0x81] =	vst.msk $0xffff, v2;
	s31 =	sand.u32 $0x7, s13;
	s16 =	sor.u32 s17, s16;
	s17 =	sadd.s32 s3, s30  }
0x11: {  	[tilespmem:s15+$0x1020 ss:$0x81] =	vst.msk $0xffff, v0;
	s13 =	sshll.u32 s31, $0x12;
	s12 =	sadd.s32 s12, s17;
	s16 =	sshrl.u32 s16, $0x3  }
0x12: {  	[tilespmem:s15+$0x0 ss:$0x81] =	vst.msk $0xffff, v1;
	s13 =	sor.u32 $0x400, s13;
	s12 =	sadd.s32 s16, s12  }
0x13: {  	[hbm4b:s12+s13] =	stream.strided.scatter [tilespmem:s14], [sflag:$0x2], $0x2000, s8, s13, $0x20;
	[tilespmem:$0x8080] =	vst v63  }
.LBB1_5:
0x14: {  	s14 =	sadd.s32 $0x1, s9  }
0x15: {  	s12 =	sadd.s32 $0x1000, s10;
	s16 =	smov.u32 s10;
	p2 =	sgt.s32 s14, $0xC7  }
0x16: {  	s16 =	smov.u32 @p2 s12  }
0x17: {  	s14 =	simm.s32 @p2 $0x0;
	p2 =	sgt.s32 s16, $0xFFF  }
0x18: {  	s16 =	smov.u32 @p2 s2;
	p2 =	sne.s32 s11, s7  }
.Ltmp1:
0x19: {  	p1 =	slt.u32 s11, $0x2;
	(pc) =	sbr.rel @!p2 .LBB1_6-.Ltmp1, $4  }
0x1a: {  	s15 =	simm.s32 @!p1 $0x2  }
0x1b: {  	s13 =	smov.u32 s10;
	p0 =	por !p0, !p0;
	_ =	swait.ge @!p1 [sflag:s15], $0x2000  }
0x1c: {  	s12 =	smov.u32 s9;
	[sflag:s15] =	ssyncset.done @!p1 $0x0;
	s9 =	smov.u32 s14  }
0x1d: {  	s11 =	sadd.s32 $0x1, s11;
	[sflag:s15] =	ssyncadd.s32 @!p1 $0xFFFFE000;
	s10 =	smov.u32 s16  }
.LBB1_1:
0x1e: {  	p1 =	sge.u32 s11, s5  }
0x1f: {  	s14 =	sand.u32 @!p1 $0x1FFFFFF, s9  }
0x20: {  	s15 =	smulhi.u32 @!p1 $0x147AE15, s14;
	_ =	sdelay $0x1  }
0x21: {  	s15 =	smul.u32 @!p1 $0xC8, s15  }
0x22: {  	s16 =	sxor.u32 @!p1 $0xFFFFFFFF, s11;
	s17 =	smul.u32 @!p1 $0xC80, s10  }
0x23: {  	s31 =	sadd.s32 $0xFFFFFFFF, s11;
	s16 =	sshll.u32 @!p1 s16, $0xD;
	s14 =	ssub.s32 @!p1 s14, s15  }
0x24: {  	s15 =	sand.u32 @!p1 $0x2000, s16;
	s16 =	sadd.s32 @!p1 s6, s17;
	s14 =	sshll.u32 @!p1 s14, $0x4  }
0x25: {  	s17 =	simm.s32 @!p1 $0x6400;
	s14 =	sadd.s32 @!p1 s14, s16;
	s16 =	simm.s32 @!p1 $0x40  }
0x26: {  	[tilespmem:s15], [sflag:$0x1] =	stream.strided.gather @!p1 [hbm4b:s14+s16], $0x2000, s17, s16, $0x38;
	[tilespmem:$0x8080] =	vst v63  }
0x27: {  	p1 =	sge.u32 s31, s5  }
.Ltmp2:
0x28: {  	_ = 	snop;
	(pc) =	sbr.rel @p1 .LBB1_5-.Ltmp2, $1  }
0x29: {  	_ =	sdelay $0x3  }
0x2a: {  	s14 =	simm.s32 $0x1  }
0x2b: {  	_ =	swait.ge [sflag:s4], $0x2000;
	s14 =	simm.s32 @!p0 $0x0  }
0x2c: {  	[sflag:s4] =	ssyncset.done $0x0;
	s15 =	sshll.u32 s14, $0xD  }
0x2d: {  	[sflag:s4] =	ssyncadd.s32 $0xFFFFE000;
	s18 =	sor.u32 $0x20, s15  }
0x2e: {  	s14 =	smul.u32 $0x8100, s14;
	v3 =	vld [tilespmem:s18+$0x10]  }
0x2f: {  	s30 =	sand.u32 $0x1, s11;
	v2 =	vld [tilespmem:s18+$0xFFFFFFF0]  }
0x30: {  	s15 =	smul.u32 $0x8100, s30;
	s14 =	sshrl.u32 s14, $0x2;
	v0 =	vld [tilespmem:s18+$0x0]  }
0x31: {  	v1 =	vld [tilespmem:s18+$0xFFFFFFE0];
	s16 =	sor.u32 $0x4000, s14  }
0x32: {  	s31 =	sshrl.u32 s15, $0x2;
	s15 =	sadd.s32 $0x0, s16  }
0x33: {  	s17 =	simm.s32 $0x4;
	s18 =	sadd.s32 $0x40, s18;
	s14 =	sor.u32 $0x4000, s31;
	[tilespmem:s15+$0x1830 ss:$0x81] =	vst.msk $0xffff, v3  }
.LBB1_3:
0x34: {  	v3 =	vld [tilespmem:s18+$0x10];
	p1 =	sne.s32 s17, $0x1FC;
	[tilespmem:s15+$0x810 ss:$0x81] =	vst.msk $0xffff, v2;
	s19 =	smov.u32 s17;
	s17 =	sadd.s32 $0x4, s17  }
.Ltmp3:
0x35: {  	v2 =	vld [tilespmem:s18+$0xFFFFFFF0];
	[tilespmem:s15+$0x1020 ss:$0x81] =	vst.msk $0xffff, v0;
	(pc) =	sbr.rel @p1 .LBB1_3-.Ltmp3, $4  }
0x36: {  	v0 =	vld [tilespmem:s18+$0x0];
	[tilespmem:s15+$0x0 ss:$0x81] =	vst.msk $0xffff, v1  }
0x37: {  	s15 =	sshra.s32 s19, $0x2;
	v1 =	vld [tilespmem:s18+$0xFFFFFFE0]  }
0x38: {  	s15 =	sadd.s32 s15, s16  }
0x39: {  	s18 =	sadd.s32 $0x40, s18;
	[tilespmem:s15+$0x1830 ss:$0x81] =	vst.msk $0xffff, v3  }
.Ltmp4:
0x3a: {  	_ = 	snop;
	(pc) =	sbr.rel .LBB1_4-.Ltmp4, $1  }
0x3b: {  	_ =	sdelay $0x3  }
.LBB1_6:
0x3c: {  	_ =	sfence.sel $0x180000  }
0x3d: {  	s2 =	simm.s32 $0x1;
	[bflag:$0x0] =	sbarrier.arrive $0xFFFF  }
0x3e: {  	s31 =	simm.s32 $0x2;
	[sflag:s2] =	ssyncpa.u1 $0x1  }
0x3f: {  	[sflag:s31] =	ssyncpa.u1 $0x1  }
0x40: {  	p0 =	sne.s32 s0, $0x0;
	_ =	strace $0x9000004A  }
0x41: {  	s0 =	sadd.s32 @!p0 $0x100000, s1;
	[bflag:$0x2] =	sbarrier.arrive $0xFFFF  }
0x42: {  	[sflag:s0] =	ssyncadd.tile.s32 @!p0 $0x1;
	_ =	shalt  }
.Lfunc_end1:
_tile_overlayer_lowered:
.L_overlay_start_2:
0x43: {  	(tag) =	ssettag $0x2  }
0x44: {  	s0 =	rddreg [dreg:$0x0];
	s2 =	stileid.u32  }
0x45: {  	s1 =	rddreg [dreg:$0x1];
	p0 =	sne.s32 s2, $0x0  }
0x46: {  	s3 =	rddreg [dreg:$0x2];
	[bflag:$0x3] =	sbarrier.arrive $0xFFFF;
	s2 =	simm.s32 @!p0 $0x1C01  }
0x47: {  	[timem:s3], [sflag:s2] =	dma.local @!p0 [hbm:s0], s1  }
0x48: {  	s0 =	simm.s32 @!p0 $0x1  }
0x49: {  	_ =	swait.ge @!p0 [sflag:s0], s1  }
0x4a: {  	s1 =	ssub.s32 @!p0 $0x0, s1;
	[sflag:s0] =	ssyncset.done @!p0 $0x0  }
0x4b: {  	[sflag:s0] =	ssyncadd.s32 @!p0 s1  }
0x4c: {  	[bflag:$0x3] =	sbarrier.arrive $0xFFFF  }
0x4d: {  	_ =	shalt  }

</sc_bundles>
